<compile_context>
chip_gen: v7x
topology: tpu7x:2x2x1
jax: 0.10.2.dev20260603
libtpu: 0.0.44.dev20260713+nightly
codegen_flags: <defaults>
</compile_context>

<pallas_src>
import functools

import jax
import jax.numpy as jnp
from jax import lax
from jax.experimental import pallas as pl
from jax.experimental.pallas import tpu as pltpu
from jax.experimental.pallas import tpu_sc as plsc

_D = 32
_B = 16384

_INFO = plsc.get_sparse_core_info()
_NW = _INFO.num_cores * _INFO.num_subcores
_B_PER_W = _B // _NW
_MB = 16

_MESH = plsc.VectorSubcoreMesh(core_axis_name="c", subcore_axis_name="s")


@functools.partial(
    pl.kernel,
    mesh=_MESH,
    out_type=jax.ShapeDtypeStruct((_D, _B), jnp.float32),
    scratch_types=[
        pltpu.VMEM((_B_PER_W,), jnp.int32),
        pltpu.VMEM((_MB, _D, 128), jnp.float32),
        pltpu.VMEM((_D, _B_PER_W), jnp.float32),
        pltpu.SemaphoreType.DMA,
    ],
    compiler_params=pltpu.CompilerParams(needs_layout_passes=False),
)
def _gather_kernel(table_hbm, idx_hbm, out_hbm, idx_v, sb_v, rows_v, sem):
    wid = lax.axis_index("s") * _INFO.num_cores + lax.axis_index("c")
    base = wid * _B_PER_W
    pltpu.sync_copy(idx_hbm.at[pl.ds(base, _B_PER_W)], idx_v)
    iota16 = lax.iota(jnp.int32, 16)

    def group(g, _):
        jbase = g * _MB
        v16 = idx_v[pl.ds(jbase, _MB)]
        vtile = v16 >> jnp.int32(7)
        vlane = v16 & jnp.int32(127)
        copies = []
        for k in range(_MB):
            copies.append(
                pltpu.async_copy(
                    table_hbm.at[:, pl.ds(vtile[k] * 128, 128)],
                    sb_v.at[k],
                    sem,
                )
            )
        for k in range(_MB):
            copies[k].wait()
            lane16 = jnp.full((16,), vlane[k], jnp.int32)
            col16 = jnp.full((16,), jbase + k, jnp.int32)
            for half in range(2):
                rsel = iota16 + jnp.int32(half * 16)
                vals = plsc.load_gather(sb_v.at[k], [rsel, lane16])
                plsc.store_scatter(rows_v, [rsel, col16], vals)
        return 0

    lax.fori_loop(0, _B_PER_W // _MB, group, 0)
    pltpu.sync_copy(rows_v, out_hbm.at[:, pl.ds(base, _B_PER_W)])


def kernel(instance_ids, embedding_instance_weight):
    ids = instance_ids.astype(jnp.int32)
    tab_t = embedding_instance_weight.T
    out_t = _gather_kernel(tab_t, ids)
    return out_t.T

# --- scband reference (transcript-rebuilt; emitter-appended) ---
"""Pipeline reference for scband-code-library-vanilla-11269994185182 (READ-ONLY COPY).

The authoritative reference and input builder live on the scoring server;
editing this copy changes nothing except your own understanding.
"""

import jax, jax.numpy as jnp
import numpy as np
import math

N_MAX_OBJS = 1000000
N_OBJ_CODE_LENGTH = 32
BATCH = 16384

def setup_inputs(seed: int = 0) -> dict:
    key = jax.random.key(seed)
    k_idx, k_tab = jax.random.split(key)
    instance_ids = jax.random.randint(k_idx, (BATCH,), 0, N_MAX_OBJS, dtype=jnp.int64 if jax.config.jax_enable_x64 else jnp.int32)
    # Embedding table initialized as normal(0, 1/sqrt(code_length)), matching torch.nn.init.normal_
    embedding_instance_weight = jax.random.normal(k_tab, (N_MAX_OBJS, N_OBJ_CODE_LENGTH), dtype=jnp.float32) * (1.0 / math.sqrt(N_OBJ_CODE_LENGTH))
    return {"instance_ids": instance_ids, "embedding_instance_weight": embedding_instance_weight}

def reference(instance_ids, embedding_instance_weight):
    # Faithful translation of CodeLibraryVanilla.forward:
    # ret_dict['embedding_instance'] = self.embedding_instance(instance_ids)
    embedding_instance = jnp.take(embedding_instance_weight, instance_ids, axis=0)
    return embedding_instance

if __name__ == "__main__":
    import jax
    _d = setup_inputs()
    print(jax.jit(kernel)(*tuple(_d.values())))

</pallas_src>

<mosaic_0001>
#map = affine_map<(d0, d1) -> (0, 0)>
#map1 = affine_map<(d0, d1) -> (0)>
module attributes {stable_mosaic.version = 14 : i64} {
  func.func @_gather_kernel(%arg0: i32, %arg1: i32, %arg2: memref<32x1000000xf32, #tpu.memory_space<hbm>>, %arg3: memref<16384xi32, #tpu.memory_space<hbm>>, %arg4: memref<32x16384xf32, #tpu.memory_space<hbm>>, %arg5: memref<512xi32, #tpu.memory_space<vmem>>, %arg6: memref<16x32x128xf32, #tpu.memory_space<vmem>>, %arg7: memref<32x512xf32, #tpu.memory_space<vmem>>, %arg8: memref<!tpu.dma_semaphore, #tpu.memory_space<semaphore_mem>>) attributes {dimension_semantics = [#tpu.dimension_semantics<core_parallel>, #tpu.dimension_semantics<subcore_parallel>], iteration_bounds = array<i64: 2, 16>, scalar_prefetch = 0 : i64, scratch_operands = 4 : i64, tpu.core_type = #tpu.core_type<sc_vector_subcore>, window_params = [{transform_indices = #map}, {transform_indices = #map1}, {transform_indices = #map}]} {
    %mul3A = arith.constant 2 : i32
    %mul3A_0 = arith.muli %arg1, %mul3A : i32
    %add3A = arith.addi %mul3A_0, %arg0 : i32
    %mul3A_1 = arith.constant 512 : i32
    %mul3A_2 = arith.muli %add3A, %mul3A_1 : i32
    "tpu.region"() ({
      %run_scoped3A = tpu.sem_alloc : memref<!tpu.dma_semaphore, #tpu.memory_space<semaphore_mem>>
      %dma_start3A = tpu.memref_slice %arg3[%mul3A_2] : memref<16384xi32, #tpu.memory_space<hbm>> -> memref<512xi32, #tpu.memory_space<hbm>>
      %dma_start3A_9 = tpu.memref_slice %arg3[%mul3A_2] : memref<16384xi32, #tpu.memory_space<hbm>> -> memref<512xi32, #tpu.memory_space<hbm>>
      tpu.enqueue_dma source(%dma_start3A_9 : memref<512xi32, #tpu.memory_space<hbm>>) target(%arg5 : memref<512xi32, #tpu.memory_space<vmem>>) target_semaphore(%run_scoped3A : memref<!tpu.dma_semaphore, #tpu.memory_space<semaphore_mem>>)
      %dma_wait3A = tpu.memref_slice %arg3[%mul3A_2] : memref<16384xi32, #tpu.memory_space<hbm>> -> memref<512xi32, #tpu.memory_space<hbm>>
      %dma_wait3A_10 = tpu.memref_slice %arg3[%mul3A_2] : memref<16384xi32, #tpu.memory_space<hbm>> -> memref<512xi32, #tpu.memory_space<hbm>>
      tpu.wait_dma2 semaphore(%run_scoped3A : memref<!tpu.dma_semaphore, #tpu.memory_space<semaphore_mem>>) src(%dma_wait3A_10 : memref<512xi32, #tpu.memory_space<hbm>>) dst(%arg5 : memref<512xi32, #tpu.memory_space<vmem>>)
      tpu.yield
    }) : () -> ()
    %iota3A = tpu.iota {dimensions = array<i32: 0>} : vector<16xi32>
    %scan3A = arith.constant 0 : i32
    %scan3A_3 = arith.constant 0 : i32
    %scan3A_4 = arith.constant 32 : i32
    %scan3A_5 = arith.addi %scan3A_3, %scan3A_4 : i32
    %scan3A_6 = arith.constant 1 : i32
    %scan3A_7 = scf.for %scan3A_9 = %scan3A_3 to %scan3A_5 step %scan3A_6 iter_args(%scan3A_10 = %scan3A) -> (i32)  : i32 {
      %mul3A_11 = arith.constant 16 : i32
      %mul3A_12 = arith.muli %scan3A_9, %mul3A_11 : i32
      %get3A = arith.index_cast %mul3A_12 : i32 to index
      %get3A_13 = tpu.vector_load %arg5[%get3A] {strides = array<i32>} : memref<512xi32, #tpu.memory_space<vmem>>, vector<16xi32>,
      %shift_right_arithmetic3A = arith.constant 7 : i32
      %shift_right_arithmetic3A_14 = vector.broadcast %shift_right_arithmetic3A : i32 to vector<16xi32>
      %shift_right_arithmetic3A_15 = arith.shrsi %get3A_13, %shift_right_arithmetic3A_14 : vector<16xi32>
      %and3A = arith.constant 127 : i32
      %and3A_16 = vector.broadcast %and3A : i32 to vector<16xi32>
      %and3A_17 = arith.andi %get3A_13, %and3A_16 : vector<16xi32>
      %slice3A = vector.extract_strided_slice %shift_right_arithmetic3A_15 {offsets = [0], sizes = [1], strides = [1]} : vector<16xi32> to vector<1xi32>
      %squeeze3A = vector.extract %slice3A[0] : i32 from vector<1xi32>
      %mul3A_18 = arith.constant 128 : i32
      %mul3A_19 = arith.muli %squeeze3A, %mul3A_18 : i32
      %dma_start3A = arith.constant 0 : i32
      %dma_start3A_20 = arith.constant 0 : i32
      %dma_start3A_21 = arith.constant 0 : i32
      %dma_start3A_22 = tpu.memref_slice %arg6[%dma_start3A, %dma_start3A_20, %dma_start3A_21] : memref<16x32x128xf32, #tpu.memory_space<vmem>> -> memref<1x32x128xf32, #tpu.memory_space<vmem>>
      %dma_start3A_23 = tpu.memref_squeeze %dma_start3A_22 : memref<1x32x128xf32, #tpu.memory_space<vmem>> -> memref<32x128xf32, #tpu.memory_space<vmem>>
      %dma_start3A_24 = arith.constant 0 : i32
      %dma_start3A_25 = tpu.memref_slice %arg2[%dma_start3A_24, %mul3A_19] : memref<32x1000000xf32, #tpu.memory_space<hbm>> -> memref<32x128xf32, #tpu.memory_space<hbm>>
      %dma_start3A_26 = arith.constant 0 : i32
      %dma_start3A_27 = arith.constant 0 : i32
      %dma_start3A_28 = tpu.memref_slice %arg6[%dma_start3A, %dma_start3A_26, %dma_start3A_27] : memref<16x32x128xf32, #tpu.memory_space<vmem>> -> memref<1x32x128xf32, #tpu.memory_space<vmem>>
      %dma_start3A_29 = tpu.memref_squeeze %dma_start3A_28 : memref<1x32x128xf32, #tpu.memory_space<vmem>> -> memref<32x128xf32, #tpu.memory_space<vmem>>
      %dma_start3A_30 = arith.constant 0 : i32
      %dma_start3A_31 = tpu.memref_slice %arg2[%dma_start3A_30, %mul3A_19] : memref<32x1000000xf32, #tpu.memory_space<hbm>> -> memref<32x128xf32, #tpu.memory_space<hbm>>
      tpu.enqueue_dma source(%dma_start3A_31 : memref<32x128xf32, #tpu.memory_space<hbm>>) target(%dma_start3A_29 : memref<32x128xf32, #tpu.memory_space<vmem>>) target_semaphore(%arg8 : memref<!tpu.dma_semaphore, #tpu.memory_space<semaphore_mem>>)
      %slice3A_32 = vector.extract_strided_slice %shift_right_arithmetic3A_15 {offsets = [1], sizes = [1], strides = [1]} : vector<16xi32> to vector<1xi32>
      %squeeze3A_33 = vector.extract %slice3A_32[0] : i32 from vector<1xi32>
      %mul3A_34 = arith.constant 128 : i32
      %mul3A_35 = arith.muli %squeeze3A_33, %mul3A_34 : i32
      %dma_start3A_36 = arith.constant 1 : i32
      %dma_start3A_37 = arith.constant 0 : i32
      %dma_start3A_38 = arith.constant 0 : i32
      %dma_start3A_39 = tpu.memref_slice %arg6[%dma_start3A_36, %dma_start3A_37, %dma_start3A_38] : memref<16x32x128xf32, #tpu.memory_space<vmem>> -> memref<1x32x128xf32, #tpu.memory_space<vmem>>
      %dma_start3A_40 = tpu.memref_squeeze %dma_start3A_39 : memref<1x32x128xf32, #tpu.memory_space<vmem>> -> memref<32x128xf32, #tpu.memory_space<vmem>>
      %dma_start3A_41 = arith.constant 0 : i32
      %dma_start3A_42 = tpu.memref_slice %arg2[%dma_start3A_41, %mul3A_35] : memref<32x1000000xf32, #tpu.memory_space<hbm>> -> memref<32x128xf32, #tpu.memory_space<hbm>>
      %dma_start3A_43 = arith.constant 0 : i32
      %dma_start3A_44 = arith.constant 0 : i32
      %dma_start3A_45 = tpu.memref_slice %arg6[%dma_start3A_36, %dma_start3A_43, %dma_start3A_44] : memref<16x32x128xf32, #tpu.memory_space<vmem>> -> memref<1x32x128xf32, #tpu.memory_space<vmem>>
      %dma_start3A_46 = tpu.memref_squeeze %dma_start3A_45 : memref<1x32x128xf32, #tpu.memory_space<vmem>> -> memref<32x128xf32, #tpu.memory_space<vmem>>
      %dma_start3A_47 = arith.constant 0 : i32
      %dma_start3A_48 = tpu.memref_slice %arg2[%dma_start3A_47, %mul3A_35] : memref<32x1000000xf32, #tpu.memory_space<hbm>> -> memref<32x128xf32, #tpu.memory_space<hbm>>
      tpu.enqueue_dma source(%dma_start3A_48 : memref<32x128xf32, #tpu.memory_space<hbm>>) target(%dma_start3A_46 : memref<32x128xf32, #tpu.memory_space<vmem>>) target_semaphore(%arg8 : memref<!tpu.dma_semaphore, #tpu.memory_space<semaphore_mem>>)
      %slice3A_49 = vector.extract_strided_slice %shift_right_arithmetic3A_15 {offsets = [2], sizes = [1], strides = [1]} : vector<16xi32> to vector<1xi32>
      %squeeze3A_50 = vector.extract %slice3A_49[0] : i32 from vector<1xi32>
      %mul3A_51 = arith.constant 128 : i32
      %mul3A_52 = arith.muli %squeeze3A_50, %mul3A_51 : i32
      %dma_start3A_53 = arith.constant 2 : i32
      %dma_start3A_54 = arith.constant 0 : i32
      %dma_start3A_55 = arith.constant 0 : i32
      %dma_start3A_56 = tpu.memref_slice %arg6[%dma_start3A_53, %dma_start3A_54, %dma_start3A_55] : memref<16x32x128xf32, #tpu.memory_space<vmem>> -> memref<1x32x128xf32, #tpu.memory_space<vmem>>
      %dma_start3A_57 = tpu.memref_squeeze %dma_start3A_56 : memref<1x32x128xf32, #tpu.memory_space<vmem>> -> memref<32x128xf32, #tpu.memory_space<vmem>>
      %dma_start3A_58 = arith.constant 0 : i32
      %dma_start3A_59 = tpu.memref_slice %arg2[%dma_start3A_58, %mul3A_52] : memref<32x1000000xf32, #tpu.memory_space<hbm>> -> memref<32x128xf32, #tpu.memory_space<hbm>>
      %dma_start3A_60 = arith.constant 0 : i32
      %dma_start3A_61 = arith.constant 0 : i32
      %dma_start3A_62 = tpu.memref_slice %arg6[%dma_start3A_53, %dma_start3A_60, %dma_start3A_61] : memref<16x32x128xf32, #tpu.memory_space<vmem>> -> memref<1x32x128xf32, #tpu.memory_space<vmem>>
      %dma_start3A_63 = tpu.memref_squeeze %dma_start3A_62 : memref<1x32x128xf32, #tpu.memory_space<vmem>> -> memref<32x128xf32, #tpu.memory_space<vmem>>
      %dma_start3A_64 = arith.constant 0 : i32
      %dma_start3A_65 = tpu.memref_slice %arg2[%dma_start3A_64, %mul3A_52] : memref<32x1000000xf32, #tpu.memory_space<hbm>> -> memref<32x128xf32, #tpu.memory_space<hbm>>
      tpu.enqueue_dma source(%dma_start3A_65 : memref<32x128xf32, #tpu.memory_space<hbm>>) target(%dma_start3A_63 : memref<32x128xf32, #tpu.memory_space<vmem>>) target_semaphore(%arg8 : memref<!tpu.dma_semaphore, #tpu.memory_space<semaphore_mem>>)
      %slice3A_66 = vector.extract_strided_slice %shift_right_arithmetic3A_15 {offsets = [3], sizes = [1], strides = [1]} : vector<16xi32> to vector<1xi32>
      %squeeze3A_67 = vector.extract %slice3A_66[0] : i32 from vector<1xi32>
      %mul3A_68 = arith.constant 128 : i32
      %mul3A_69 = arith.muli %squeeze3A_67, %mul3A_68 : i32
      %dma_start3A_70 = arith.constant 3 : i32
      %dma_start3A_71 = arith.constant 0 : i32
      %dma_start3A_72 = arith.constant 0 : i32
      %dma_start3A_73 = tpu.memref_slice %arg6[%dma_start3A_70, %dma_start3A_71, %dma_start3A_72] : memref<16x32x128xf32, #tpu.memory_space<vmem>> -> memref<1x32x128xf32, #tpu.memory_space<vmem>>
      %dma_start3A_74 = tpu.memref_squeeze %dma_start3A_73 : memref<1x32x128xf32, #tpu.memory_space<vmem>> -> memref<32x128xf32, #tpu.memory_space<vmem>>
      %dma_start3A_75 = arith.constant 0 : i32
      %dma_start3A_76 = tpu.memref_slice %arg2[%dma_start3A_75, %mul3A_69] : memref<32x1000000xf32, #tpu.memory_space<hbm>> -> memref<32x128xf32, #tpu.memory_space<hbm>>
      %dma_start3A_77 = arith.constant 0 : i32
      %dma_start3A_78 = arith.constant 0 : i32
      %dma_start3A_79 = tpu.memref_slice %arg6[%dma_start3A_70, %dma_start3A_77, %dma_start3A_78] : memref<16x32x128xf32, #tpu.memory_space<vmem>> -> memref<1x32x128xf32, #tpu.memory_space<vmem>>
      %dma_start3A_80 = tpu.memref_squeeze %dma_start3A_79 : memref<1x32x128xf32, #tpu.memory_space<vmem>> -> memref<32x128xf32, #tpu.memory_space<vmem>>
      %dma_start3A_81 = arith.constant 0 : i32
      %dma_start3A_82 = tpu.memref_slice %arg2[%dma_start3A_81, %mul3A_69] : memref<32x1000000xf32, #tpu.memory_space<hbm>> -> memref<32x128xf32, #tpu.memory_space<hbm>>
      tpu.enqueue_dma source(%dma_start3A_82 : memref<32x128xf32, #tpu.memory_space<hbm>>) target(%dma_start3A_80 : memref<32x128xf32, #tpu.memory_space<vmem>>) target_semaphore(%arg8 : memref<!tpu.dma_semaphore, #tpu.memory_space<semaphore_mem>>)
      %slice3A_83 = vector.extract_strided_slice %shift_right_arithmetic3A_15 {offsets = [4], sizes = [1], strides = [1]} : vector<16xi32> to vector<1xi32>
      %squeeze3A_84 = vector.extract %slice3A_83[0] : i32 from vector<1xi32>
      %mul3A_85 = arith.constant 128 : i32
      %mul3A_86 = arith.muli %squeeze3A_84, %mul3A_85 : i32
      %dma_start3A_87 = arith.constant 4 : i32
      %dma_start3A_88 = arith.constant 0 : i32
      %dma_start3A_89 = arith.constant 0 : i32
      %dma_start3A_90 = tpu.memref_slice %arg6[%dma_start3A_87, %dma_start3A_88, %dma_start3A_89] : memref<16x32x128xf32, #tpu.memory_space<vmem>> -> memref<1x32x128xf32, #tpu.memory_space<vmem>>
      %dma_start3A_91 = tpu.memref_squeeze %dma_start3A_90 : memref<1x32x128xf32, #tpu.memory_space<vmem>> -> memref<32x128xf32, #tpu.memory_space<vmem>>
      %dma_start3A_92 = arith.constant 0 : i32
      %dma_start3A_93 = tpu.memref_slice %arg2[%dma_start3A_92, %mul3A_86] : memref<32x1000000xf32, #tpu.memory_space<hbm>> -> memref<32x128xf32, #tpu.memory_space<hbm>>
      %dma_start3A_94 = arith.constant 0 : i32
      %dma_start3A_95 = arith.constant 0 : i32
      %dma_start3A_96 = tpu.memref_slice %arg6[%dma_start3A_87, %dma_start3A_94, %dma_start3A_95] : memref<16x32x128xf32, #tpu.memory_space<vmem>> -> memref<1x32x128xf32, #tpu.memory_space<vmem>>
      %dma_start3A_97 = tpu.memref_squeeze %dma_start3A_96 : memref<1x32x128xf32, #tpu.memory_space<vmem>> -> memref<32x128xf32, #tpu.memory_space<vmem>>
      %dma_start3A_98 = arith.constant 0 : i32
      %dma_start3A_99 = tpu.memref_slice %arg2[%dma_start3A_98, %mul3A_86] : memref<32x1000000xf32, #tpu.memory_space<hbm>> -> memref<32x128xf32, #tpu.memory_space<hbm>>
      tpu.enqueue_dma source(%dma_start3A_99 : memref<32x128xf32, #tpu.memory_space<hbm>>) target(%dma_start3A_97 : memref<32x128xf32, #tpu.memory_space<vmem>>) target_semaphore(%arg8 : memref<!tpu.dma_semaphore, #tpu.memory_space<semaphore_mem>>)
      %slice3A_100 = vector.extract_strided_slice %shift_right_arithmetic3A_15 {offsets = [5], sizes = [1], strides = [1]} : vector<16xi32> to vector<1xi32>
      %squeeze3A_101 = vector.extract %slice3A_100[0] : i32 from vector<1xi32>
      %mul3A_102 = arith.constant 128 : i32
      %mul3A_103 = arith.muli %squeeze3A_101, %mul3A_102 : i32
      %dma_start3A_104 = arith.constant 5 : i32
      %dma_start3A_105 = arith.constant 0 : i32
      %dma_start3A_106 = arith.constant 0 : i32
      %dma_start3A_107 = tpu.memref_slice %arg6[%dma_start3A_104, %dma_start3A_105, %dma_start3A_106] : memref<16x32x128xf32, #tpu.memory_space<vmem>> -> memref<1x32x128xf32, #tpu.memory_space<vmem>>
      %dma_start3A_108 = tpu.memref_squeeze %dma_start3A_107 : memref<1x32x128xf32, #tpu.memory_space<vmem>> -> memref<32x128xf32, #tpu.memory_space<vmem>>
      %dma_start3A_109 = arith.constant 0 : i32
      %dma_start3A_110 = tpu.memref_slice %arg2[%dma_start3A_109, %mul3A_103] : memref<32x1000000xf32, #tpu.memory_space<hbm>> -> memref<32x128xf32, #tpu.memory_space<hbm>>
      %dma_start3A_111 = arith.constant 0 : i32
      %dma_start3A_112 = arith.constant 0 : i32
      %dma_start3A_113 = tpu.memref_slice %arg6[%dma_start3A_104, %dma_start3A_111, %dma_start3A_112] : memref<16x32x128xf32, #tpu.memory_space<vmem>> -> memref<1x32x128xf32, #tpu.memory_space<vmem>>
      %dma_start3A_114 = tpu.memref_squeeze %dma_start3A_113 : memref<1x32x128xf32, #tpu.memory_space<vmem>> -> memref<32x128xf32, #tpu.memory_space<vmem>>
      %dma_start3A_115 = arith.constant 0 : i32
      %dma_start3A_116 = tpu.memref_slice %arg2[%dma_start3A_115, %mul3A_103] : memref<32x1000000xf32, #tpu.memory_space<hbm>> -> memref<32x128xf32, #tpu.memory_space<hbm>>
      tpu.enqueue_dma source(%dma_start3A_116 : memref<32x128xf32, #tpu.memory_space<hbm>>) target(%dma_start3A_114 : memref<32x128xf32, #tpu.memory_space<vmem>>) target_semaphore(%arg8 : memref<!tpu.dma_semaphore, #tpu.memory_space<semaphore_mem>>)
      %slice3A_117 = vector.extract_strided_slice %shift_right_arithmetic3A_15 {offsets = [6], sizes = [1], strides = [1]} : vector<16xi32> to vector<1xi32>
      %squeeze3A_118 = vector.extract %slice3A_117[0] : i32 from vector<1xi32>
      %mul3A_119 = arith.constant 128 : i32
      %mul3A_120 = arith.muli %squeeze3A_118, %mul3A_119 : i32
      %dma_start3A_121 = arith.constant 6 : i32
      %dma_start3A_122 = arith.constant 0 : i32
      %dma_start3A_123 = arith.constant 0 : i32
      %dma_start3A_124 = tpu.memref_slice %arg6[%dma_start3A_121, %dma_start3A_122, %dma_start3A_123] : memref<16x32x128xf32, #tpu.memory_space<vmem>> -> memref<1x32x128xf32, #tpu.memory_space<vmem>>
      %dma_start3A_125 = tpu.memref_squeeze %dma_start3A_124 : memref<1x32x128xf32, #tpu.memory_space<vmem>> -> memref<32x128xf32, #tpu.memory_space<vmem>>
      %dma_start3A_126 = arith.constant 0 : i32
      %dma_start3A_127 = tpu.memref_slice %arg2[%dma_start3A_126, %mul3A_120] : memref<32x1000000xf32, #tpu.memory_space<hbm>> -> memref<32x128xf32, #tpu.memory_space<hbm>>
      %dma_start3A_128 = arith.constant 0 : i32
      %dma_start3A_129 = arith.constant 0 : i32
      %dma_start3A_130 = tpu.memref_slice %arg6[%dma_start3A_121, %dma_start3A_128, %dma_start3A_129] : memref<16x32x128xf32, #tpu.memory_space<vmem>> -> memref<1x32x128xf32, #tpu.memory_space<vmem>>
      %dma_start3A_131 = tpu.memref_squeeze %dma_start3A_130 : memref<1x32x128xf32, #tpu.memory_space<vmem>> -> memref<32x128xf32, #tpu.memory_space<vmem>>
      %dma_start3A_132 = arith.constant 0 : i32
      %dma_start3A_133 = tpu.memref_slice %arg2[%dma_start3A_132, %mul3A_120] : memref<32x1000000xf32, #tpu.memory_space<hbm>> -> memref<32x128xf32, #tpu.memory_space<hbm>>
      tpu.enqueue_dma source(%dma_start3A_133 : memref<32x128xf32, #tpu.memory_space<hbm>>) target(%dma_start3A_131 : memref<32x128xf32, #tpu.memory_space<vmem>>) target_semaphore(%arg8 : memref<!tpu.dma_semaphore, #tpu.memory_space<semaphore_mem>>)
      %slice3A_134 = vector.extract_strided_slice %shift_right_arithmetic3A_15 {offsets = [7], sizes = [1], strides = [1]} : vector<16xi32> to vector<1xi32>
      %squeeze3A_135 = vector.extract %slice3A_134[0] : i32 from vector<1xi32>
      %mul3A_136 = arith.constant 128 : i32
      %mul3A_137 = arith.muli %squeeze3A_135, %mul3A_136 : i32
      %dma_start3A_138 = arith.constant 7 : i32
      %dma_start3A_139 = arith.constant 0 : i32
      %dma_start3A_140 = arith.constant 0 : i32
      %dma_start3A_141 = tpu.memref_slice %arg6[%dma_start3A_138, %dma_start3A_139, %dma_start3A_140] : memref<16x32x128xf32, #tpu.memory_space<vmem>> -> memref<1x32x128xf32, #tpu.memory_space<vmem>>
      %dma_start3A_142 = tpu.memref_squeeze %dma_start3A_141 : memref<1x32x128xf32, #tpu.memory_space<vmem>> -> memref<32x128xf32, #tpu.memory_space<vmem>>
      %dma_start3A_143 = arith.constant 0 : i32
      %dma_start3A_144 = tpu.memref_slice %arg2[%dma_start3A_143, %mul3A_137] : memref<32x1000000xf32, #tpu.memory_space<hbm>> -> memref<32x128xf32, #tpu.memory_space<hbm>>
      %dma_start3A_145 = arith.constant 0 : i32
      %dma_start3A_146 = arith.constant 0 : i32
      %dma_start3A_147 = tpu.memref_slice %arg6[%dma_start3A_138, %dma_start3A_145, %dma_start3A_146] : memref<16x32x128xf32, #tpu.memory_space<vmem>> -> memref<1x32x128xf32, #tpu.memory_space<vmem>>
      %dma_start3A_148 = tpu.memref_squeeze %dma_start3A_147 : memref<1x32x128xf32, #tpu.memory_space<vmem>> -> memref<32x128xf32, #tpu.memory_space<vmem>>
      %dma_start3A_149 = arith.constant 0 : i32
      %dma_start3A_150 = tpu.memref_slice %arg2[%dma_start3A_149, %mul3A_137] : memref<32x1000000xf32, #tpu.memory_space<hbm>> -> memref<32x128xf32, #tpu.memory_space<hbm>>
      tpu.enqueue_dma source(%dma_start3A_150 : memref<32x128xf32, #tpu.memory_space<hbm>>) target(%dma_start3A_148 : memref<32x128xf32, #tpu.memory_space<vmem>>) target_semaphore(%arg8 : memref<!tpu.dma_semaphore, #tpu.memory_space<semaphore_mem>>)
      %slice3A_151 = vector.extract_strided_slice %shift_right_arithmetic3A_15 {offsets = [8], sizes = [1], strides = [1]} : vector<16xi32> to vector<1xi32>
      %squeeze3A_152 = vector.extract %slice3A_151[0] : i32 from vector<1xi32>
      %mul3A_153 = arith.constant 128 : i32
      %mul3A_154 = arith.muli %squeeze3A_152, %mul3A_153 : i32
      %dma_start3A_155 = arith.constant 8 : i32
      %dma_start3A_156 = arith.constant 0 : i32
      %dma_start3A_157 = arith.constant 0 : i32
      %dma_start3A_158 = tpu.memref_slice %arg6[%dma_start3A_155, %dma_start3A_156, %dma_start3A_157] : memref<16x32x128xf32, #tpu.memory_space<vmem>> -> memref<1x32x128xf32, #tpu.memory_space<vmem>>
      %dma_start3A_159 = tpu.memref_squeeze %dma_start3A_158 : memref<1x32x128xf32, #tpu.memory_space<vmem>> -> memref<32x128xf32, #tpu.memory_space<vmem>>
      %dma_start3A_160 = arith.constant 0 : i32
      %dma_start3A_161 = tpu.memref_slice %arg2[%dma_start3A_160, %mul3A_154] : memref<32x1000000xf32, #tpu.memory_space<hbm>> -> memref<32x128xf32, #tpu.memory_space<hbm>>
      %dma_start3A_162 = arith.constant 0 : i32
      %dma_start3A_163 = arith.constant 0 : i32
      %dma_start3A_164 = tpu.memref_slice %arg6[%dma_start3A_155, %dma_start3A_162, %dma_start3A_163] : memref<16x32x128xf32, #tpu.memory_space<vmem>> -> memref<1x32x128xf32, #tpu.memory_space<vmem>>
      %dma_start3A_165 = tpu.memref_squeeze %dma_start3A_164 : memref<1x32x128xf32, #tpu.memory_space<vmem>> -> memref<32x128xf32, #tpu.memory_space<vmem>>
      %dma_start3A_166 = arith.constant 0 : i32
      %dma_start3A_167 = tpu.memref_slice %arg2[%dma_start3A_166, %mul3A_154] : memref<32x1000000xf32, #tpu.memory_space<hbm>> -> memref<32x128xf32, #tpu.memory_space<hbm>>
      tpu.enqueue_dma source(%dma_start3A_167 : memref<32x128xf32, #tpu.memory_space<hbm>>) target(%dma_start3A_165 : memref<32x128xf32, #tpu.memory_space<vmem>>) target_semaphore(%arg8 : memref<!tpu.dma_semaphore, #tpu.memory_space<semaphore_mem>>)
      %slice3A_168 = vector.extract_strided_slice %shift_right_arithmetic3A_15 {offsets = [9], sizes = [1], strides = [1]} : vector<16xi32> to vector<1xi32>
      %squeeze3A_169 = vector.extract %slice3A_168[0] : i32 from vector<1xi32>
      %mul3A_170 = arith.constant 128 : i32
      %mul3A_171 = arith.muli %squeeze3A_169, %mul3A_170 : i32
      %dma_start3A_172 = arith.constant 9 : i32
      %dma_start3A_173 = arith.constant 0 : i32
      %dma_start3A_174 = arith.constant 0 : i32
      %dma_start3A_175 = tpu.memref_slice %arg6[%dma_start3A_172, %dma_start3A_173, %dma_start3A_174] : memref<16x32x128xf32, #tpu.memory_space<vmem>> -> memref<1x32x128xf32, #tpu.memory_space<vmem>>
      %dma_start3A_176 = tpu.memref_squeeze %dma_start3A_175 : memref<1x32x128xf32, #tpu.memory_space<vmem>> -> memref<32x128xf32, #tpu.memory_space<vmem>>
      %dma_start3A_177 = arith.constant 0 : i32
      %dma_start3A_178 = tpu.memref_slice %arg2[%dma_start3A_177, %mul3A_171] : memref<32x1000000xf32, #tpu.memory_space<hbm>> -> memref<32x128xf32, #tpu.memory_space<hbm>>
      %dma_start3A_179 = arith.constant 0 : i32
      %dma_start3A_180 = arith.constant 0 : i32
      %dma_start3A_181 = tpu.memref_slice %arg6[%dma_start3A_172, %dma_start3A_179, %dma_start3A_180] : memref<16x32x128xf32, #tpu.memory_space<vmem>> -> memref<1x32x128xf32, #tpu.memory_space<vmem>>
      %dma_start3A_182 = tpu.memref_squeeze %dma_start3A_181 : memref<1x32x128xf32, #tpu.memory_space<vmem>> -> memref<32x128xf32, #tpu.memory_space<vmem>>
      %dma_start3A_183 = arith.constant 0 : i32
      %dma_start3A_184 = tpu.memref_slice %arg2[%dma_start3A_183, %mul3A_171] : memref<32x1000000xf32, #tpu.memory_space<hbm>> -> memref<32x128xf32, #tpu.memory_space<hbm>>
      tpu.enqueue_dma source(%dma_start3A_184 : memref<32x128xf32, #tpu.memory_space<hbm>>) target(%dma_start3A_182 : memref<32x128xf32, #tpu.memory_space<vmem>>) target_semaphore(%arg8 : memref<!tpu.dma_semaphore, #tpu.memory_space<semaphore_mem>>)
      %slice3A_185 = vector.extract_strided_slice %shift_right_arithmetic3A_15 {offsets = [10], sizes = [1], strides = [1]} : vector<16xi32> to vector<1xi32>
      %squeeze3A_186 = vector.extract %slice3A_185[0] : i32 from vector<1xi32>
      %mul3A_187 = arith.constant 128 : i32
      %mul3A_188 = arith.muli %squeeze3A_186, %mul3A_187 : i32
      %dma_start3A_189 = arith.constant 10 : i32
      %dma_start3A_190 = arith.constant 0 : i32
      %dma_start3A_191 = arith.constant 0 : i32
      %dma_start3A_192 = tpu.memref_slice %arg6[%dma_start3A_189, %dma_start3A_190, %dma_start3A_191] : memref<16x32x128xf32, #tpu.memory_space<vmem>> -> memref<1x32x128xf32, #tpu.memory_space<vmem>>
      %dma_start3A_193 = tpu.memref_squeeze %dma_start3A_192 : memref<1x32x128xf32, #tpu.memory_space<vmem>> -> memref<32x128xf32, #tpu.memory_space<vmem>>
      %dma_start3A_194 = arith.constant 0 : i32
      %dma_start3A_195 = tpu.memref_slice %arg2[%dma_start3A_194, %mul3A_188] : memref<32x1000000xf32, #tpu.memory_space<hbm>> -> memref<32x128xf32, #tpu.memory_space<hbm>>
      %dma_start3A_196 = arith.constant 0 : i32
      %dma_start3A_197 = arith.constant 0 : i32
      %dma_start3A_198 = tpu.memref_slice %arg6[%dma_start3A_189, %dma_start3A_196, %dma_start3A_197] : memref<16x32x128xf32, #tpu.memory_space<vmem>> -> memref<1x32x128xf32, #tpu.memory_space<vmem>>
      %dma_start3A_199 = tpu.memref_squeeze %dma_start3A_198 : memref<1x32x128xf32, #tpu.memory_space<vmem>> -> memref<32x128xf32, #tpu.memory_space<vmem>>
      %dma_start3A_200 = arith.constant 0 : i32
      %dma_start3A_201 = tpu.memref_slice %arg2[%dma_start3A_200, %mul3A_188] : memref<32x1000000xf32, #tpu.memory_space<hbm>> -> memref<32x128xf32, #tpu.memory_space<hbm>>
      tpu.enqueue_dma source(%dma_start3A_201 : memref<32x128xf32, #tpu.memory_space<hbm>>) target(%dma_start3A_199 : memref<32x128xf32, #tpu.memory_space<vmem>>) target_semaphore(%arg8 : memref<!tpu.dma_semaphore, #tpu.memory_space<semaphore_mem>>)
      %slice3A_202 = vector.extract_strided_slice %shift_right_arithmetic3A_15 {offsets = [11], sizes = [1], strides = [1]} : vector<16xi32> to vector<1xi32>
      %squeeze3A_203 = vector.extract %slice3A_202[0] : i32 from vector<1xi32>
      %mul3A_204 = arith.constant 128 : i32
      %mul3A_205 = arith.muli %squeeze3A_203, %mul3A_204 : i32
      %dma_start3A_206 = arith.constant 11 : i32
      %dma_start3A_207 = arith.constant 0 : i32
      %dma_start3A_208 = arith.constant 0 : i32
      %dma_start3A_209 = tpu.memref_slice %arg6[%dma_start3A_206, %dma_start3A_207, %dma_start3A_208] : memref<16x32x128xf32, #tpu.memory_space<vmem>> -> memref<1x32x128xf32, #tpu.memory_space<vmem>>
      %dma_start3A_210 = tpu.memref_squeeze %dma_start3A_209 : memref<1x32x128xf32, #tpu.memory_space<vmem>> -> memref<32x128xf32, #tpu.memory_space<vmem>>
      %dma_start3A_211 = arith.constant 0 : i32
      %dma_start3A_212 = tpu.memref_slice %arg2[%dma_start3A_211, %mul3A_205] : memref<32x1000000xf32, #tpu.memory_space<hbm>> -> memref<32x128xf32, #tpu.memory_space<hbm>>
      %dma_start3A_213 = arith.constant 0 : i32
      %dma_start3A_214 = arith.constant 0 : i32
      %dma_start3A_215 = tpu.memref_slice %arg6[%dma_start3A_206, %dma_start3A_213, %dma_start3A_214] : memref<16x32x128xf32, #tpu.memory_space<vmem>> -> memref<1x32x128xf32, #tpu.memory_space<vmem>>
      %dma_start3A_216 = tpu.memref_squeeze %dma_start3A_215 : memref<1x32x128xf32, #tpu.memory_space<vmem>> -> memref<32x128xf32, #tpu.memory_space<vmem>>
      %dma_start3A_217 = arith.constant 0 : i32
      %dma_start3A_218 = tpu.memref_slice %arg2[%dma_start3A_217, %mul3A_205] : memref<32x1000000xf32, #tpu.memory_space<hbm>> -> memref<32x128xf32, #tpu.memory_space<hbm>>
      tpu.enqueue_dma source(%dma_start3A_218 : memref<32x128xf32, #tpu.memory_space<hbm>>) target(%dma_start3A_216 : memref<32x128xf32, #tpu.memory_space<vmem>>) target_semaphore(%arg8 : memref<!tpu.dma_semaphore, #tpu.memory_space<semaphore_mem>>)
      %slice3A_219 = vector.extract_strided_slice %shift_right_arithmetic3A_15 {offsets = [12], sizes = [1], strides = [1]} : vector<16xi32> to vector<1xi32>
      %squeeze3A_220 = vector.extract %slice3A_219[0] : i32 from vector<1xi32>
      %mul3A_221 = arith.constant 128 : i32
      %mul3A_222 = arith.muli %squeeze3A_220, %mul3A_221 : i32
      %dma_start3A_223 = arith.constant 12 : i32
      %dma_start3A_224 = arith.constant 0 : i32
      %dma_start3A_225 = arith.constant 0 : i32
      %dma_start3A_226 = tpu.memref_slice %arg6[%dma_start3A_223, %dma_start3A_224, %dma_start3A_225] : memref<16x32x128xf32, #tpu.memory_space<vmem>> -> memref<1x32x128xf32, #tpu.memory_space<vmem>>
      %dma_start3A_227 = tpu.memref_squeeze %dma_start3A_226 : memref<1x32x128xf32, #tpu.memory_space<vmem>> -> memref<32x128xf32, #tpu.memory_space<vmem>>
      %dma_start3A_228 = arith.constant 0 : i32
      %dma_start3A_229 = tpu.memref_slice %arg2[%dma_start3A_228, %mul3A_222] : memref<32x1000000xf32, #tpu.memory_space<hbm>> -> memref<32x128xf32, #tpu.memory_space<hbm>>
      %dma_start3A_230 = arith.constant 0 : i32
      %dma_start3A_231 = arith.constant 0 : i32
      %dma_start3A_232 = tpu.memref_slice %arg6[%dma_start3A_223, %dma_start3A_230, %dma_start3A_231] : memref<16x32x128xf32, #tpu.memory_space<vmem>> -> memref<1x32x128xf32, #tpu.memory_space<vmem>>
      %dma_start3A_233 = tpu.memref_squeeze %dma_start3A_232 : memref<1x32x128xf32, #tpu.memory_space<vmem>> -> memref<32x128xf32, #tpu.memory_space<vmem>>
      %dma_start3A_234 = arith.constant 0 : i32
      %dma_start3A_235 = tpu.memref_slice %arg2[%dma_start3A_234, %mul3A_222] : memref<32x1000000xf32, #tpu.memory_space<hbm>> -> memref<32x128xf32, #tpu.memory_space<hbm>>
      tpu.enqueue_dma source(%dma_start3A_235 : memref<32x128xf32, #tpu.memory_space<hbm>>) target(%dma_start3A_233 : memref<32x128xf32, #tpu.memory_space<vmem>>) target_semaphore(%arg8 : memref<!tpu.dma_semaphore, #tpu.memory_space<semaphore_mem>>)
      %slice3A_236 = vector.extract_strided_slice %shift_right_arithmetic3A_15 {offsets = [13], sizes = [1], strides = [1]} : vector<16xi32> to vector<1xi32>
      %squeeze3A_237 = vector.extract %slice3A_236[0] : i32 from vector<1xi32>
      %mul3A_238 = arith.constant 128 : i32
      %mul3A_239 = arith.muli %squeeze3A_237, %mul3A_238 : i32
      %dma_start3A_240 = arith.constant 13 : i32
      %dma_start3A_241 = arith.constant 0 : i32
      %dma_start3A_242 = arith.constant 0 : i32
      %dma_start3A_243 = tpu.memref_slice %arg6[%dma_start3A_240, %dma_start3A_241, %dma_start3A_242] : memref<16x32x128xf32, #tpu.memory_space<vmem>> -> memref<1x32x128xf32, #tpu.memory_space<vmem>>
      %dma_start3A_244 = tpu.memref_squeeze %dma_start3A_243 : memref<1x32x128xf32, #tpu.memory_space<vmem>> -> memref<32x128xf32, #tpu.memory_space<vmem>>
      %dma_start3A_245 = arith.constant 0 : i32
      %dma_start3A_246 = tpu.memref_slice %arg2[%dma_start3A_245, %mul3A_239] : memref<32x1000000xf32, #tpu.memory_space<hbm>> -> memref<32x128xf32, #tpu.memory_space<hbm>>
      %dma_start3A_247 = arith.constant 0 : i32
      %dma_start3A_248 = arith.constant 0 : i32
      %dma_start3A_249 = tpu.memref_slice %arg6[%dma_start3A_240, %dma_start3A_247, %dma_start3A_248] : memref<16x32x128xf32, #tpu.memory_space<vmem>> -> memref<1x32x128xf32, #tpu.memory_space<vmem>>
      %dma_start3A_250 = tpu.memref_squeeze %dma_start3A_249 : memref<1x32x128xf32, #tpu.memory_space<vmem>> -> memref<32x128xf32, #tpu.memory_space<vmem>>
      %dma_start3A_251 = arith.constant 0 : i32
      %dma_start3A_252 = tpu.memref_slice %arg2[%dma_start3A_251, %mul3A_239] : memref<32x1000000xf32, #tpu.memory_space<hbm>> -> memref<32x128xf32, #tpu.memory_space<hbm>>
      tpu.enqueue_dma source(%dma_start3A_252 : memref<32x128xf32, #tpu.memory_space<hbm>>) target(%dma_start3A_250 : memref<32x128xf32, #tpu.memory_space<vmem>>) target_semaphore(%arg8 : memref<!tpu.dma_semaphore, #tpu.memory_space<semaphore_mem>>)
      %slice3A_253 = vector.extract_strided_slice %shift_right_arithmetic3A_15 {offsets = [14], sizes = [1], strides = [1]} : vector<16xi32> to vector<1xi32>
      %squeeze3A_254 = vector.extract %slice3A_253[0] : i32 from vector<1xi32>
      %mul3A_255 = arith.constant 128 : i32
      %mul3A_256 = arith.muli %squeeze3A_254, %mul3A_255 : i32
      %dma_start3A_257 = arith.constant 14 : i32
      %dma_start3A_258 = arith.constant 0 : i32
      %dma_start3A_259 = arith.constant 0 : i32
      %dma_start3A_260 = tpu.memref_slice %arg6[%dma_start3A_257, %dma_start3A_258, %dma_start3A_259] : memref<16x32x128xf32, #tpu.memory_space<vmem>> -> memref<1x32x128xf32, #tpu.memory_space<vmem>>
      %dma_start3A_261 = tpu.memref_squeeze %dma_start3A_260 : memref<1x32x128xf32, #tpu.memory_space<vmem>> -> memref<32x128xf32, #tpu.memory_space<vmem>>
      %dma_start3A_262 = arith.constant 0 : i32
      %dma_start3A_263 = tpu.memref_slice %arg2[%dma_start3A_262, %mul3A_256] : memref<32x1000000xf32, #tpu.memory_space<hbm>> -> memref<32x128xf32, #tpu.memory_space<hbm>>
      %dma_start3A_264 = arith.constant 0 : i32
      %dma_start3A_265 = arith.constant 0 : i32
      %dma_start3A_266 = tpu.memref_slice %arg6[%dma_start3A_257, %dma_start3A_264, %dma_start3A_265] : memref<16x32x128xf32, #tpu.memory_space<vmem>> -> memref<1x32x128xf32, #tpu.memory_space<vmem>>
      %dma_start3A_267 = tpu.memref_squeeze %dma_start3A_266 : memref<1x32x128xf32, #tpu.memory_space<vmem>> -> memref<32x128xf32, #tpu.memory_space<vmem>>
      %dma_start3A_268 = arith.constant 0 : i32
      %dma_start3A_269 = tpu.memref_slice %arg2[%dma_start3A_268, %mul3A_256] : memref<32x1000000xf32, #tpu.memory_space<hbm>> -> memref<32x128xf32, #tpu.memory_space<hbm>>
      tpu.enqueue_dma source(%dma_start3A_269 : memref<32x128xf32, #tpu.memory_space<hbm>>) target(%dma_start3A_267 : memref<32x128xf32, #tpu.memory_space<vmem>>) target_semaphore(%arg8 : memref<!tpu.dma_semaphore, #tpu.memory_space<semaphore_mem>>)
      %slice3A_270 = vector.extract_strided_slice %shift_right_arithmetic3A_15 {offsets = [15], sizes = [1], strides = [1]} : vector<16xi32> to vector<1xi32>
      %squeeze3A_271 = vector.extract %slice3A_270[0] : i32 from vector<1xi32>
      %mul3A_272 = arith.constant 128 : i32
      %mul3A_273 = arith.muli %squeeze3A_271, %mul3A_272 : i32
      %dma_start3A_274 = arith.constant 15 : i32
      %dma_start3A_275 = arith.constant 0 : i32
      %dma_start3A_276 = arith.constant 0 : i32
      %dma_start3A_277 = tpu.memref_slice %arg6[%dma_start3A_274, %dma_start3A_275, %dma_start3A_276] : memref<16x32x128xf32, #tpu.memory_space<vmem>> -> memref<1x32x128xf32, #tpu.memory_space<vmem>>
      %dma_start3A_278 = tpu.memref_squeeze %dma_start3A_277 : memref<1x32x128xf32, #tpu.memory_space<vmem>> -> memref<32x128xf32, #tpu.memory_space<vmem>>
      %dma_start3A_279 = arith.constant 0 : i32
      %dma_start3A_280 = tpu.memref_slice %arg2[%dma_start3A_279, %mul3A_273] : memref<32x1000000xf32, #tpu.memory_space<hbm>> -> memref<32x128xf32, #tpu.memory_space<hbm>>
      %dma_start3A_281 = arith.constant 0 : i32
      %dma_start3A_282 = arith.constant 0 : i32
      %dma_start3A_283 = tpu.memref_slice %arg6[%dma_start3A_274, %dma_start3A_281, %dma_start3A_282] : memref<16x32x128xf32, #tpu.memory_space<vmem>> -> memref<1x32x128xf32, #tpu.memory_space<vmem>>
      %dma_start3A_284 = tpu.memref_squeeze %dma_start3A_283 : memref<1x32x128xf32, #tpu.memory_space<vmem>> -> memref<32x128xf32, #tpu.memory_space<vmem>>
      %dma_start3A_285 = arith.constant 0 : i32
      %dma_start3A_286 = tpu.memref_slice %arg2[%dma_start3A_285, %mul3A_273] : memref<32x1000000xf32, #tpu.memory_space<hbm>> -> memref<32x128xf32, #tpu.memory_space<hbm>>
      tpu.enqueue_dma source(%dma_start3A_286 : memref<32x128xf32, #tpu.memory_space<hbm>>) target(%dma_start3A_284 : memref<32x128xf32, #tpu.memory_space<vmem>>) target_semaphore(%arg8 : memref<!tpu.dma_semaphore, #tpu.memory_space<semaphore_mem>>)
      %dma_wait3A = arith.constant 0 : i32
      %dma_wait3A_287 = arith.constant 0 : i32
      %dma_wait3A_288 = arith.constant 0 : i32
      %dma_wait3A_289 = tpu.memref_slice %arg6[%dma_wait3A, %dma_wait3A_287, %dma_wait3A_288] : memref<16x32x128xf32, #tpu.memory_space<vmem>> -> memref<1x32x128xf32, #tpu.memory_space<vmem>>
      %dma_wait3A_290 = tpu.memref_squeeze %dma_wait3A_289 : memref<1x32x128xf32, #tpu.memory_space<vmem>> -> memref<32x128xf32, #tpu.memory_space<vmem>>
      %dma_wait3A_291 = arith.constant 0 : i32
      %dma_wait3A_292 = tpu.memref_slice %arg2[%dma_wait3A_291, %mul3A_19] : memref<32x1000000xf32, #tpu.memory_space<hbm>> -> memref<32x128xf32, #tpu.memory_space<hbm>>
      %dma_wait3A_293 = arith.constant 0 : i32
      %dma_wait3A_294 = arith.constant 0 : i32
      %dma_wait3A_295 = tpu.memref_slice %arg6[%dma_wait3A, %dma_wait3A_293, %dma_wait3A_294] : memref<16x32x128xf32, #tpu.memory_space<vmem>> -> memref<1x32x128xf32, #tpu.memory_space<vmem>>
      %dma_wait3A_296 = tpu.memref_squeeze %dma_wait3A_295 : memref<1x32x128xf32, #tpu.memory_space<vmem>> -> memref<32x128xf32, #tpu.memory_space<vmem>>
      %dma_wait3A_297 = arith.constant 0 : i32
      %dma_wait3A_298 = tpu.memref_slice %arg2[%dma_wait3A_297, %mul3A_19] : memref<32x1000000xf32, #tpu.memory_space<hbm>> -> memref<32x128xf32, #tpu.memory_space<hbm>>
      tpu.wait_dma2 semaphore(%arg8 : memref<!tpu.dma_semaphore, #tpu.memory_space<semaphore_mem>>) src(%dma_wait3A_298 : memref<32x128xf32, #tpu.memory_space<hbm>>) dst(%dma_wait3A_296 : memref<32x128xf32, #tpu.memory_space<vmem>>)
      %slice3A_299 = vector.extract_strided_slice %and3A_17 {offsets = [0], sizes = [1], strides = [1]} : vector<16xi32> to vector<1xi32>
      %squeeze3A_300 = vector.extract %slice3A_299[0] : i32 from vector<1xi32>
      %broadcast_in_dim3A = vector.broadcast %squeeze3A_300 : i32 to vector<16xi32>
      %add3A_301 = arith.constant 0 : i32
      %add3A_302 = arith.addi %mul3A_12, %add3A_301 : i32
      %broadcast_in_dim3A_303 = vector.broadcast %add3A_302 : i32 to vector<16xi32>
      %add3A_304 = arith.constant 0 : i32
      %add3A_305 = vector.broadcast %add3A_304 : i32 to vector<16xi32>
      %add3A_306 = arith.addi %iota3A, %add3A_305 : vector<16xi32>
      %gather3A = arith.constant 0 : i32
      %gather3A_307 = arith.constant 0 : i32
      %gather3A_308 = arith.constant 0 : i32
      %gather3A_309 = tpu.memref_slice %arg6[%gather3A, %gather3A_307, %gather3A_308] : memref<16x32x128xf32, #tpu.memory_space<vmem>> -> memref<1x32x128xf32, #tpu.memory_space<vmem>>
      %gather3A_310 = tpu.memref_squeeze %gather3A_309 : memref<1x32x128xf32, #tpu.memory_space<vmem>> -> memref<32x128xf32, #tpu.memory_space<vmem>>
      %gather3A_311 = tpu.vector_load_idx %gather3A_310[%add3A_306, %broadcast_in_dim3A] : memref<32x128xf32, #tpu.memory_space<vmem>>[vector<16xi32>, vector<16xi32>], vector<16xf32>,
      tpu.vector_store_idx %arg7[%add3A_306, %broadcast_in_dim3A_303], %gather3A_311 : memref<32x512xf32, #tpu.memory_space<vmem>>[vector<16xi32>, vector<16xi32>], vector<16xf32>,
      %add3A_312 = arith.constant 16 : i32
      %add3A_313 = vector.broadcast %add3A_312 : i32 to vector<16xi32>
      %add3A_314 = arith.addi %iota3A, %add3A_313 : vector<16xi32>
      %gather3A_315 = arith.constant 0 : i32
      %gather3A_316 = arith.constant 0 : i32
      %gather3A_317 = arith.constant 0 : i32
      %gather3A_318 = tpu.memref_slice %arg6[%gather3A_315, %gather3A_316, %gather3A_317] : memref<16x32x128xf32, #tpu.memory_space<vmem>> -> memref<1x32x128xf32, #tpu.memory_space<vmem>>
      %gather3A_319 = tpu.memref_squeeze %gather3A_318 : memref<1x32x128xf32, #tpu.memory_space<vmem>> -> memref<32x128xf32, #tpu.memory_space<vmem>>
      %gather3A_320 = tpu.vector_load_idx %gather3A_319[%add3A_314, %broadcast_in_dim3A] : memref<32x128xf32, #tpu.memory_space<vmem>>[vector<16xi32>, vector<16xi32>], vector<16xf32>,
      tpu.vector_store_idx %arg7[%add3A_314, %broadcast_in_dim3A_303], %gather3A_320 : memref<32x512xf32, #tpu.memory_space<vmem>>[vector<16xi32>, vector<16xi32>], vector<16xf32>,
      %dma_wait3A_321 = arith.constant 1 : i32
      %dma_wait3A_322 = arith.constant 0 : i32
      %dma_wait3A_323 = arith.constant 0 : i32
      %dma_wait3A_324 = tpu.memref_slice %arg6[%dma_wait3A_321, %dma_wait3A_322, %dma_wait3A_323] : memref<16x32x128xf32, #tpu.memory_space<vmem>> -> memref<1x32x128xf32, #tpu.memory_space<vmem>>
      %dma_wait3A_325 = tpu.memref_squeeze %dma_wait3A_324 : memref<1x32x128xf32, #tpu.memory_space<vmem>> -> memref<32x128xf32, #tpu.memory_space<vmem>>
      %dma_wait3A_326 = arith.constant 0 : i32
      %dma_wait3A_327 = tpu.memref_slice %arg2[%dma_wait3A_326, %mul3A_35] : memref<32x1000000xf32, #tpu.memory_space<hbm>> -> memref<32x128xf32, #tpu.memory_space<hbm>>
      %dma_wait3A_328 = arith.constant 0 : i32
      %dma_wait3A_329 = arith.constant 0 : i32
      %dma_wait3A_330 = tpu.memref_slice %arg6[%dma_wait3A_321, %dma_wait3A_328, %dma_wait3A_329] : memref<16x32x128xf32, #tpu.memory_space<vmem>> -> memref<1x32x128xf32, #tpu.memory_space<vmem>>
      %dma_wait3A_331 = tpu.memref_squeeze %dma_wait3A_330 : memref<1x32x128xf32, #tpu.memory_space<vmem>> -> memref<32x128xf32, #tpu.memory_space<vmem>>
      %dma_wait3A_332 = arith.constant 0 : i32
      %dma_wait3A_333 = tpu.memref_slice %arg2[%dma_wait3A_332, %mul3A_35] : memref<32x1000000xf32, #tpu.memory_space<hbm>> -> memref<32x128xf32, #tpu.memory_space<hbm>>
      tpu.wait_dma2 semaphore(%arg8 : memref<!tpu.dma_semaphore, #tpu.memory_space<semaphore_mem>>) src(%dma_wait3A_333 : memref<32x128xf32, #tpu.memory_space<hbm>>) dst(%dma_wait3A_331 : memref<32x128xf32, #tpu.memory_space<vmem>>)
      %slice3A_334 = vector.extract_strided_slice %and3A_17 {offsets = [1], sizes = [1], strides = [1]} : vector<16xi32> to vector<1xi32>
      %squeeze3A_335 = vector.extract %slice3A_334[0] : i32 from vector<1xi32>
      %broadcast_in_dim3A_336 = vector.broadcast %squeeze3A_335 : i32 to vector<16xi32>
      %add3A_337 = arith.constant 1 : i32
      %add3A_338 = arith.addi %mul3A_12, %add3A_337 : i32
      %broadcast_in_dim3A_339 = vector.broadcast %add3A_338 : i32 to vector<16xi32>
      %add3A_340 = arith.constant 0 : i32
      %add3A_341 = vector.broadcast %add3A_340 : i32 to vector<16xi32>
      %add3A_342 = arith.addi %iota3A, %add3A_341 : vector<16xi32>
      %gather3A_343 = arith.constant 1 : i32
      %gather3A_344 = arith.constant 0 : i32
      %gather3A_345 = arith.constant 0 : i32
      %gather3A_346 = tpu.memref_slice %arg6[%gather3A_343, %gather3A_344, %gather3A_345] : memref<16x32x128xf32, #tpu.memory_space<vmem>> -> memref<1x32x128xf32, #tpu.memory_space<vmem>>
      %gather3A_347 = tpu.memref_squeeze %gather3A_346 : memref<1x32x128xf32, #tpu.memory_space<vmem>> -> memref<32x128xf32, #tpu.memory_space<vmem>>
      %gather3A_348 = tpu.vector_load_idx %gather3A_347[%add3A_342, %broadcast_in_dim3A_336] : memref<32x128xf32, #tpu.memory_space<vmem>>[vector<16xi32>, vector<16xi32>], vector<16xf32>,
      tpu.vector_store_idx %arg7[%add3A_342, %broadcast_in_dim3A_339], %gather3A_348 : memref<32x512xf32, #tpu.memory_space<vmem>>[vector<16xi32>, vector<16xi32>], vector<16xf32>,
      %add3A_349 = arith.constant 16 : i32
      %add3A_350 = vector.broadcast %add3A_349 : i32 to vector<16xi32>
      %add3A_351 = arith.addi %iota3A, %add3A_350 : vector<16xi32>
      %gather3A_352 = arith.constant 1 : i32
      %gather3A_353 = arith.constant 0 : i32
      %gather3A_354 = arith.constant 0 : i32
      %gather3A_355 = tpu.memref_slice %arg6[%gather3A_352, %gather3A_353, %gather3A_354] : memref<16x32x128xf32, #tpu.memory_space<vmem>> -> memref<1x32x128xf32, #tpu.memory_space<vmem>>
      %gather3A_356 = tpu.memref_squeeze %gather3A_355 : memref<1x32x128xf32, #tpu.memory_space<vmem>> -> memref<32x128xf32, #tpu.memory_space<vmem>>
      %gather3A_357 = tpu.vector_load_idx %gather3A_356[%add3A_351, %broadcast_in_dim3A_336] : memref<32x128xf32, #tpu.memory_space<vmem>>[vector<16xi32>, vector<16xi32>], vector<16xf32>,
      tpu.vector_store_idx %arg7[%add3A_351, %broadcast_in_dim3A_339], %gather3A_357 : memref<32x512xf32, #tpu.memory_space<vmem>>[vector<16xi32>, vector<16xi32>], vector<16xf32>,
      %dma_wait3A_358 = arith.constant 2 : i32
      %dma_wait3A_359 = arith.constant 0 : i32
      %dma_wait3A_360 = arith.constant 0 : i32
      %dma_wait3A_361 = tpu.memref_slice %arg6[%dma_wait3A_358, %dma_wait3A_359, %dma_wait3A_360] : memref<16x32x128xf32, #tpu.memory_space<vmem>> -> memref<1x32x128xf32, #tpu.memory_space<vmem>>
      %dma_wait3A_362 = tpu.memref_squeeze %dma_wait3A_361 : memref<1x32x128xf32, #tpu.memory_space<vmem>> -> memref<32x128xf32, #tpu.memory_space<vmem>>
      %dma_wait3A_363 = arith.constant 0 : i32
      %dma_wait3A_364 = tpu.memref_slice %arg2[%dma_wait3A_363, %mul3A_52] : memref<32x1000000xf32, #tpu.memory_space<hbm>> -> memref<32x128xf32, #tpu.memory_space<hbm>>
      %dma_wait3A_365 = arith.constant 0 : i32
      %dma_wait3A_366 = arith.constant 0 : i32
      %dma_wait3A_367 = tpu.memref_slice %arg6[%dma_wait3A_358, %dma_wait3A_365, %dma_wait3A_366] : memref<16x32x128xf32, #tpu.memory_space<vmem>> -> memref<1x32x128xf32, #tpu.memory_space<vmem>>
      %dma_wait3A_368 = tpu.memref_squeeze %dma_wait3A_367 : memref<1x32x128xf32, #tpu.memory_space<vmem>> -> memref<32x128xf32, #tpu.memory_space<vmem>>
      %dma_wait3A_369 = arith.constant 0 : i32
      %dma_wait3A_370 = tpu.memref_slice %arg2[%dma_wait3A_369, %mul3A_52] : memref<32x1000000xf32, #tpu.memory_space<hbm>> -> memref<32x128xf32, #tpu.memory_space<hbm>>
      tpu.wait_dma2 semaphore(%arg8 : memref<!tpu.dma_semaphore, #tpu.memory_space<semaphore_mem>>) src(%dma_wait3A_370 : memref<32x128xf32, #tpu.memory_space<hbm>>) dst(%dma_wait3A_368 : memref<32x128xf32, #tpu.memory_space<vmem>>)
      %slice3A_371 = vector.extract_strided_slice %and3A_17 {offsets = [2], sizes = [1], strides = [1]} : vector<16xi32> to vector<1xi32>
      %squeeze3A_372 = vector.extract %slice3A_371[0] : i32 from vector<1xi32>
      %broadcast_in_dim3A_373 = vector.broadcast %squeeze3A_372 : i32 to vector<16xi32>
      %add3A_374 = arith.constant 2 : i32
      %add3A_375 = arith.addi %mul3A_12, %add3A_374 : i32
      %broadcast_in_dim3A_376 = vector.broadcast %add3A_375 : i32 to vector<16xi32>
      %add3A_377 = arith.constant 0 : i32
      %add3A_378 = vector.broadcast %add3A_377 : i32 to vector<16xi32>
      %add3A_379 = arith.addi %iota3A, %add3A_378 : vector<16xi32>
      %gather3A_380 = arith.constant 2 : i32
      %gather3A_381 = arith.constant 0 : i32
      %gather3A_382 = arith.constant 0 : i32
      %gather3A_383 = tpu.memref_slice %arg6[%gather3A_380, %gather3A_381, %gather3A_382] : memref<16x32x128xf32, #tpu.memory_space<vmem>> -> memref<1x32x128xf32, #tpu.memory_space<vmem>>
      %gather3A_384 = tpu.memref_squeeze %gather3A_383 : memref<1x32x128xf32, #tpu.memory_space<vmem>> -> memref<32x128xf32, #tpu.memory_space<vmem>>
      %gather3A_385 = tpu.vector_load_idx %gather3A_384[%add3A_379, %broadcast_in_dim3A_373] : memref<32x128xf32, #tpu.memory_space<vmem>>[vector<16xi32>, vector<16xi32>], vector<16xf32>,
      tpu.vector_store_idx %arg7[%add3A_379, %broadcast_in_dim3A_376], %gather3A_385 : memref<32x512xf32, #tpu.memory_space<vmem>>[vector<16xi32>, vector<16xi32>], vector<16xf32>,
      %add3A_386 = arith.constant 16 : i32
      %add3A_387 = vector.broadcast %add3A_386 : i32 to vector<16xi32>
      %add3A_388 = arith.addi %iota3A, %add3A_387 : vector<16xi32>
      %gather3A_389 = arith.constant 2 : i32
      %gather3A_390 = arith.constant 0 : i32
      %gather3A_391 = arith.constant 0 : i32
      %gather3A_392 = tpu.memref_slice %arg6[%gather3A_389, %gather3A_390, %gather3A_391] : memref<16x32x128xf32, #tpu.memory_space<vmem>> -> memref<1x32x128xf32, #tpu.memory_space<vmem>>
      %gather3A_393 = tpu.memref_squeeze %gather3A_392 : memref<1x32x128xf32, #tpu.memory_space<vmem>> -> memref<32x128xf32, #tpu.memory_space<vmem>>
      %gather3A_394 = tpu.vector_load_idx %gather3A_393[%add3A_388, %broadcast_in_dim3A_373] : memref<32x128xf32, #tpu.memory_space<vmem>>[vector<16xi32>, vector<16xi32>], vector<16xf32>,
      tpu.vector_store_idx %arg7[%add3A_388, %broadcast_in_dim3A_376], %gather3A_394 : memref<32x512xf32, #tpu.memory_space<vmem>>[vector<16xi32>, vector<16xi32>], vector<16xf32>,
      %dma_wait3A_395 = arith.constant 3 : i32
      %dma_wait3A_396 = arith.constant 0 : i32
      %dma_wait3A_397 = arith.constant 0 : i32
      %dma_wait3A_398 = tpu.memref_slice %arg6[%dma_wait3A_395, %dma_wait3A_396, %dma_wait3A_397] : memref<16x32x128xf32, #tpu.memory_space<vmem>> -> memref<1x32x128xf32, #tpu.memory_space<vmem>>
      %dma_wait3A_399 = tpu.memref_squeeze %dma_wait3A_398 : memref<1x32x128xf32, #tpu.memory_space<vmem>> -> memref<32x128xf32, #tpu.memory_space<vmem>>
      %dma_wait3A_400 = arith.constant 0 : i32
      %dma_wait3A_401 = tpu.memref_slice %arg2[%dma_wait3A_400, %mul3A_69] : memref<32x1000000xf32, #tpu.memory_space<hbm>> -> memref<32x128xf32, #tpu.memory_space<hbm>>
      %dma_wait3A_402 = arith.constant 0 : i32
      %dma_wait3A_403 = arith.constant 0 : i32
      %dma_wait3A_404 = tpu.memref_slice %arg6[%dma_wait3A_395, %dma_wait3A_402, %dma_wait3A_403] : memref<16x32x128xf32, #tpu.memory_space<vmem>> -> memref<1x32x128xf32, #tpu.memory_space<vmem>>
      %dma_wait3A_405 = tpu.memref_squeeze %dma_wait3A_404 : memref<1x32x128xf32, #tpu.memory_space<vmem>> -> memref<32x128xf32, #tpu.memory_space<vmem>>
      %dma_wait3A_406 = arith.constant 0 : i32
      %dma_wait3A_407 = tpu.memref_slice %arg2[%dma_wait3A_406, %mul3A_69] : memref<32x1000000xf32, #tpu.memory_space<hbm>> -> memref<32x128xf32, #tpu.memory_space<hbm>>
      tpu.wait_dma2 semaphore(%arg8 : memref<!tpu.dma_semaphore, #tpu.memory_space<semaphore_mem>>) src(%dma_wait3A_407 : memref<32x128xf32, #tpu.memory_space<hbm>>) dst(%dma_wait3A_405 : memref<32x128xf32, #tpu.memory_space<vmem>>)
      %slice3A_408 = vector.extract_strided_slice %and3A_17 {offsets = [3], sizes = [1], strides = [1]} : vector<16xi32> to vector<1xi32>
      %squeeze3A_409 = vector.extract %slice3A_408[0] : i32 from vector<1xi32>
      %broadcast_in_dim3A_410 = vector.broadcast %squeeze3A_409 : i32 to vector<16xi32>
      %add3A_411 = arith.constant 3 : i32
      %add3A_412 = arith.addi %mul3A_12, %add3A_411 : i32
      %broadcast_in_dim3A_413 = vector.broadcast %add3A_412 : i32 to vector<16xi32>
      %add3A_414 = arith.constant 0 : i32
      %add3A_415 = vector.broadcast %add3A_414 : i32 to vector<16xi32>
      %add3A_416 = arith.addi %iota3A, %add3A_415 : vector<16xi32>
      %gather3A_417 = arith.constant 3 : i32
      %gather3A_418 = arith.constant 0 : i32
      %gather3A_419 = arith.constant 0 : i32
      %gather3A_420 = tpu.memref_slice %arg6[%gather3A_417, %gather3A_418, %gather3A_419] : memref<16x32x128xf32, #tpu.memory_space<vmem>> -> memref<1x32x128xf32, #tpu.memory_space<vmem>>
      %gather3A_421 = tpu.memref_squeeze %gather3A_420 : memref<1x32x128xf32, #tpu.memory_space<vmem>> -> memref<32x128xf32, #tpu.memory_space<vmem>>
      %gather3A_422 = tpu.vector_load_idx %gather3A_421[%add3A_416, %broadcast_in_dim3A_410] : memref<32x128xf32, #tpu.memory_space<vmem>>[vector<16xi32>, vector<16xi32>], vector<16xf32>,
      tpu.vector_store_idx %arg7[%add3A_416, %broadcast_in_dim3A_413], %gather3A_422 : memref<32x512xf32, #tpu.memory_space<vmem>>[vector<16xi32>, vector<16xi32>], vector<16xf32>,
      %add3A_423 = arith.constant 16 : i32
      %add3A_424 = vector.broadcast %add3A_423 : i32 to vector<16xi32>
      %add3A_425 = arith.addi %iota3A, %add3A_424 : vector<16xi32>
      %gather3A_426 = arith.constant 3 : i32
      %gather3A_427 = arith.constant 0 : i32
      %gather3A_428 = arith.constant 0 : i32
      %gather3A_429 = tpu.memref_slice %arg6[%gather3A_426, %gather3A_427, %gather3A_428] : memref<16x32x128xf32, #tpu.memory_space<vmem>> -> memref<1x32x128xf32, #tpu.memory_space<vmem>>
      %gather3A_430 = tpu.memref_squeeze %gather3A_429 : memref<1x32x128xf32, #tpu.memory_space<vmem>> -> memref<32x128xf32, #tpu.memory_space<vmem>>
      %gather3A_431 = tpu.vector_load_idx %gather3A_430[%add3A_425, %broadcast_in_dim3A_410] : memref<32x128xf32, #tpu.memory_space<vmem>>[vector<16xi32>, vector<16xi32>], vector<16xf32>,
      tpu.vector_store_idx %arg7[%add3A_425, %broadcast_in_dim3A_413], %gather3A_431 : memref<32x512xf32, #tpu.memory_space<vmem>>[vector<16xi32>, vector<16xi32>], vector<16xf32>,
      %dma_wait3A_432 = arith.constant 4 : i32
      %dma_wait3A_433 = arith.constant 0 : i32
      %dma_wait3A_434 = arith.constant 0 : i32
      %dma_wait3A_435 = tpu.memref_slice %arg6[%dma_wait3A_432, %dma_wait3A_433, %dma_wait3A_434] : memref<16x32x128xf32, #tpu.memory_space<vmem>> -> memref<1x32x128xf32, #tpu.memory_space<vmem>>
      %dma_wait3A_436 = tpu.memref_squeeze %dma_wait3A_435 : memref<1x32x128xf32, #tpu.memory_space<vmem>> -> memref<32x128xf32, #tpu.memory_space<vmem>>
      %dma_wait3A_437 = arith.constant 0 : i32
      %dma_wait3A_438 = tpu.memref_slice %arg2[%dma_wait3A_437, %mul3A_86] : memref<32x1000000xf32, #tpu.memory_space<hbm>> -> memref<32x128xf32, #tpu.memory_space<hbm>>
      %dma_wait3A_439 = arith.constant 0 : i32
      %dma_wait3A_440 = arith.constant 0 : i32
      %dma_wait3A_441 = tpu.memref_slice %arg6[%dma_wait3A_432, %dma_wait3A_439, %dma_wait3A_440] : memref<16x32x128xf32, #tpu.memory_space<vmem>> -> memref<1x32x128xf32, #tpu.memory_space<vmem>>
      %dma_wait3A_442 = tpu.memref_squeeze %dma_wait3A_441 : memref<1x32x128xf32, #tpu.memory_space<vmem>> -> memref<32x128xf32, #tpu.memory_space<vmem>>
      %dma_wait3A_443 = arith.constant 0 : i32
      %dma_wait3A_444 = tpu.memref_slice %arg2[%dma_wait3A_443, %mul3A_86] : memref<32x1000000xf32, #tpu.memory_space<hbm>> -> memref<32x128xf32, #tpu.memory_space<hbm>>
      tpu.wait_dma2 semaphore(%arg8 : memref<!tpu.dma_semaphore, #tpu.memory_space<semaphore_mem>>) src(%dma_wait3A_444 : memref<32x128xf32, #tpu.memory_space<hbm>>) dst(%dma_wait3A_442 : memref<32x128xf32, #tpu.memory_space<vmem>>)
      %slice3A_445 = vector.extract_strided_slice %and3A_17 {offsets = [4], sizes = [1], strides = [1]} : vector<16xi32> to vector<1xi32>
      %squeeze3A_446 = vector.extract %slice3A_445[0] : i32 from vector<1xi32>
      %broadcast_in_dim3A_447 = vector.broadcast %squeeze3A_446 : i32 to vector<16xi32>
      %add3A_448 = arith.constant 4 : i32
      %add3A_449 = arith.addi %mul3A_12, %add3A_448 : i32
      %broadcast_in_dim3A_450 = vector.broadcast %add3A_449 : i32 to vector<16xi32>
      %add3A_451 = arith.constant 0 : i32
      %add3A_452 = vector.broadcast %add3A_451 : i32 to vector<16xi32>
      %add3A_453 = arith.addi %iota3A, %add3A_452 : vector<16xi32>
      %gather3A_454 = arith.constant 4 : i32
      %gather3A_455 = arith.constant 0 : i32
      %gather3A_456 = arith.constant 0 : i32
      %gather3A_457 = tpu.memref_slice %arg6[%gather3A_454, %gather3A_455, %gather3A_456] : memref<16x32x128xf32, #tpu.memory_space<vmem>> -> memref<1x32x128xf32, #tpu.memory_space<vmem>>
      %gather3A_458 = tpu.memref_squeeze %gather3A_457 : memref<1x32x128xf32, #tpu.memory_space<vmem>> -> memref<32x128xf32, #tpu.memory_space<vmem>>
      %gather3A_459 = tpu.vector_load_idx %gather3A_458[%add3A_453, %broadcast_in_dim3A_447] : memref<32x128xf32, #tpu.memory_space<vmem>>[vector<16xi32>, vector<16xi32>], vector<16xf32>,
      tpu.vector_store_idx %arg7[%add3A_453, %broadcast_in_dim3A_450], %gather3A_459 : memref<32x512xf32, #tpu.memory_space<vmem>>[vector<16xi32>, vector<16xi32>], vector<16xf32>,
      %add3A_460 = arith.constant 16 : i32
      %add3A_461 = vector.broadcast %add3A_460 : i32 to vector<16xi32>
      %add3A_462 = arith.addi %iota3A, %add3A_461 : vector<16xi32>
      %gather3A_463 = arith.constant 4 : i32
      %gather3A_464 = arith.constant 0 : i32
      %gather3A_465 = arith.constant 0 : i32
      %gather3A_466 = tpu.memref_slice %arg6[%gather3A_463, %gather3A_464, %gather3A_465] : memref<16x32x128xf32, #tpu.memory_space<vmem>> -> memref<1x32x128xf32, #tpu.memory_space<vmem>>
      %gather3A_467 = tpu.memref_squeeze %gather3A_466 : memref<1x32x128xf32, #tpu.memory_space<vmem>> -> memref<32x128xf32, #tpu.memory_space<vmem>>
      %gather3A_468 = tpu.vector_load_idx %gather3A_467[%add3A_462, %broadcast_in_dim3A_447] : memref<32x128xf32, #tpu.memory_space<vmem>>[vector<16xi32>, vector<16xi32>], vector<16xf32>,
      tpu.vector_store_idx %arg7[%add3A_462, %broadcast_in_dim3A_450], %gather3A_468 : memref<32x512xf32, #tpu.memory_space<vmem>>[vector<16xi32>, vector<16xi32>], vector<16xf32>,
      %dma_wait3A_469 = arith.constant 5 : i32
      %dma_wait3A_470 = arith.constant 0 : i32
      %dma_wait3A_471 = arith.constant 0 : i32
      %dma_wait3A_472 = tpu.memref_slice %arg6[%dma_wait3A_469, %dma_wait3A_470, %dma_wait3A_471] : memref<16x32x128xf32, #tpu.memory_space<vmem>> -> memref<1x32x128xf32, #tpu.memory_space<vmem>>
      %dma_wait3A_473 = tpu.memref_squeeze %dma_wait3A_472 : memref<1x32x128xf32, #tpu.memory_space<vmem>> -> memref<32x128xf32, #tpu.memory_space<vmem>>
      %dma_wait3A_474 = arith.constant 0 : i32
      %dma_wait3A_475 = tpu.memref_slice %arg2[%dma_wait3A_474, %mul3A_103] : memref<32x1000000xf32, #tpu.memory_space<hbm>> -> memref<32x128xf32, #tpu.memory_space<hbm>>
      %dma_wait3A_476 = arith.constant 0 : i32
      %dma_wait3A_477 = arith.constant 0 : i32
      %dma_wait3A_478 = tpu.memref_slice %arg6[%dma_wait3A_469, %dma_wait3A_476, %dma_wait3A_477] : memref<16x32x128xf32, #tpu.memory_space<vmem>> -> memref<1x32x128xf32, #tpu.memory_space<vmem>>
      %dma_wait3A_479 = tpu.memref_squeeze %dma_wait3A_478 : memref<1x32x128xf32, #tpu.memory_space<vmem>> -> memref<32x128xf32, #tpu.memory_space<vmem>>
      %dma_wait3A_480 = arith.constant 0 : i32
      %dma_wait3A_481 = tpu.memref_slice %arg2[%dma_wait3A_480, %mul3A_103] : memref<32x1000000xf32, #tpu.memory_space<hbm>> -> memref<32x128xf32, #tpu.memory_space<hbm>>
      tpu.wait_dma2 semaphore(%arg8 : memref<!tpu.dma_semaphore, #tpu.memory_space<semaphore_mem>>) src(%dma_wait3A_481 : memref<32x128xf32, #tpu.memory_space<hbm>>) dst(%dma_wait3A_479 : memref<32x128xf32, #tpu.memory_space<vmem>>)
      %slice3A_482 = vector.extract_strided_slice %and3A_17 {offsets = [5], sizes = [1], strides = [1]} : vector<16xi32> to vector<1xi32>
      %squeeze3A_483 = vector.extract %slice3A_482[0] : i32 from vector<1xi32>
      %broadcast_in_dim3A_484 = vector.broadcast %squeeze3A_483 : i32 to vector<16xi32>
      %add3A_485 = arith.constant 5 : i32
      %add3A_486 = arith.addi %mul3A_12, %add3A_485 : i32
      %broadcast_in_dim3A_487 = vector.broadcast %add3A_486 : i32 to vector<16xi32>
      %add3A_488 = arith.constant 0 : i32
      %add3A_489 = vector.broadcast %add3A_488 : i32 to vector<16xi32>
      %add3A_490 = arith.addi %iota3A, %add3A_489 : vector<16xi32>
      %gather3A_491 = arith.constant 5 : i32
      %gather3A_492 = arith.constant 0 : i32
      %gather3A_493 = arith.constant 0 : i32
      %gather3A_494 = tpu.memref_slice %arg6[%gather3A_491, %gather3A_492, %gather3A_493] : memref<16x32x128xf32, #tpu.memory_space<vmem>> -> memref<1x32x128xf32, #tpu.memory_space<vmem>>
      %gather3A_495 = tpu.memref_squeeze %gather3A_494 : memref<1x32x128xf32, #tpu.memory_space<vmem>> -> memref<32x128xf32, #tpu.memory_space<vmem>>
      %gather3A_496 = tpu.vector_load_idx %gather3A_495[%add3A_490, %broadcast_in_dim3A_484] : memref<32x128xf32, #tpu.memory_space<vmem>>[vector<16xi32>, vector<16xi32>], vector<16xf32>,
      tpu.vector_store_idx %arg7[%add3A_490, %broadcast_in_dim3A_487], %gather3A_496 : memref<32x512xf32, #tpu.memory_space<vmem>>[vector<16xi32>, vector<16xi32>], vector<16xf32>,
      %add3A_497 = arith.constant 16 : i32
      %add3A_498 = vector.broadcast %add3A_497 : i32 to vector<16xi32>
      %add3A_499 = arith.addi %iota3A, %add3A_498 : vector<16xi32>
      %gather3A_500 = arith.constant 5 : i32
      %gather3A_501 = arith.constant 0 : i32
      %gather3A_502 = arith.constant 0 : i32
      %gather3A_503 = tpu.memref_slice %arg6[%gather3A_500, %gather3A_501, %gather3A_502] : memref<16x32x128xf32, #tpu.memory_space<vmem>> -> memref<1x32x128xf32, #tpu.memory_space<vmem>>
      %gather3A_504 = tpu.memref_squeeze %gather3A_503 : memref<1x32x128xf32, #tpu.memory_space<vmem>> -> memref<32x128xf32, #tpu.memory_space<vmem>>
      %gather3A_505 = tpu.vector_load_idx %gather3A_504[%add3A_499, %broadcast_in_dim3A_484] : memref<32x128xf32, #tpu.memory_space<vmem>>[vector<16xi32>, vector<16xi32>], vector<16xf32>,
      tpu.vector_store_idx %arg7[%add3A_499, %broadcast_in_dim3A_487], %gather3A_505 : memref<32x512xf32, #tpu.memory_space<vmem>>[vector<16xi32>, vector<16xi32>], vector<16xf32>,
      %dma_wait3A_506 = arith.constant 6 : i32
      %dma_wait3A_507 = arith.constant 0 : i32
      %dma_wait3A_508 = arith.constant 0 : i32
      %dma_wait3A_509 = tpu.memref_slice %arg6[%dma_wait3A_506, %dma_wait3A_507, %dma_wait3A_508] : memref<16x32x128xf32, #tpu.memory_space<vmem>> -> memref<1x32x128xf32, #tpu.memory_space<vmem>>
      %dma_wait3A_510 = tpu.memref_squeeze %dma_wait3A_509 : memref<1x32x128xf32, #tpu.memory_space<vmem>> -> memref<32x128xf32, #tpu.memory_space<vmem>>
      %dma_wait3A_511 = arith.constant 0 : i32
      %dma_wait3A_512 = tpu.memref_slice %arg2[%dma_wait3A_511, %mul3A_120] : memref<32x1000000xf32, #tpu.memory_space<hbm>> -> memref<32x128xf32, #tpu.memory_space<hbm>>
      %dma_wait3A_513 = arith.constant 0 : i32
      %dma_wait3A_514 = arith.constant 0 : i32
      %dma_wait3A_515 = tpu.memref_slice %arg6[%dma_wait3A_506, %dma_wait3A_513, %dma_wait3A_514] : memref<16x32x128xf32, #tpu.memory_space<vmem>> -> memref<1x32x128xf32, #tpu.memory_space<vmem>>
      %dma_wait3A_516 = tpu.memref_squeeze %dma_wait3A_515 : memref<1x32x128xf32, #tpu.memory_space<vmem>> -> memref<32x128xf32, #tpu.memory_space<vmem>>
      %dma_wait3A_517 = arith.constant 0 : i32
      %dma_wait3A_518 = tpu.memref_slice %arg2[%dma_wait3A_517, %mul3A_120] : memref<32x1000000xf32, #tpu.memory_space<hbm>> -> memref<32x128xf32, #tpu.memory_space<hbm>>
      tpu.wait_dma2 semaphore(%arg8 : memref<!tpu.dma_semaphore, #tpu.memory_space<semaphore_mem>>) src(%dma_wait3A_518 : memref<32x128xf32, #tpu.memory_space<hbm>>) dst(%dma_wait3A_516 : memref<32x128xf32, #tpu.memory_space<vmem>>)
      %slice3A_519 = vector.extract_strided_slice %and3A_17 {offsets = [6], sizes = [1], strides = [1]} : vector<16xi32> to vector<1xi32>
      %squeeze3A_520 = vector.extract %slice3A_519[0] : i32 from vector<1xi32>
      %broadcast_in_dim3A_521 = vector.broadcast %squeeze3A_520 : i32 to vector<16xi32>
      %add3A_522 = arith.constant 6 : i32
      %add3A_523 = arith.addi %mul3A_12, %add3A_522 : i32
      %broadcast_in_dim3A_524 = vector.broadcast %add3A_523 : i32 to vector<16xi32>
      %add3A_525 = arith.constant 0 : i32
      %add3A_526 = vector.broadcast %add3A_525 : i32 to vector<16xi32>
      %add3A_527 = arith.addi %iota3A, %add3A_526 : vector<16xi32>
      %gather3A_528 = arith.constant 6 : i32
      %gather3A_529 = arith.constant 0 : i32
      %gather3A_530 = arith.constant 0 : i32
      %gather3A_531 = tpu.memref_slice %arg6[%gather3A_528, %gather3A_529, %gather3A_530] : memref<16x32x128xf32, #tpu.memory_space<vmem>> -> memref<1x32x128xf32, #tpu.memory_space<vmem>>
      %gather3A_532 = tpu.memref_squeeze %gather3A_531 : memref<1x32x128xf32, #tpu.memory_space<vmem>> -> memref<32x128xf32, #tpu.memory_space<vmem>>
      %gather3A_533 = tpu.vector_load_idx %gather3A_532[%add3A_527, %broadcast_in_dim3A_521] : memref<32x128xf32, #tpu.memory_space<vmem>>[vector<16xi32>, vector<16xi32>], vector<16xf32>,
      tpu.vector_store_idx %arg7[%add3A_527, %broadcast_in_dim3A_524], %gather3A_533 : memref<32x512xf32, #tpu.memory_space<vmem>>[vector<16xi32>, vector<16xi32>], vector<16xf32>,
      %add3A_534 = arith.constant 16 : i32
      %add3A_535 = vector.broadcast %add3A_534 : i32 to vector<16xi32>
      %add3A_536 = arith.addi %iota3A, %add3A_535 : vector<16xi32>
      %gather3A_537 = arith.constant 6 : i32
      %gather3A_538 = arith.constant 0 : i32
      %gather3A_539 = arith.constant 0 : i32
      %gather3A_540 = tpu.memref_slice %arg6[%gather3A_537, %gather3A_538, %gather3A_539] : memref<16x32x128xf32, #tpu.memory_space<vmem>> -> memref<1x32x128xf32, #tpu.memory_space<vmem>>
      %gather3A_541 = tpu.memref_squeeze %gather3A_540 : memref<1x32x128xf32, #tpu.memory_space<vmem>> -> memref<32x128xf32, #tpu.memory_space<vmem>>
      %gather3A_542 = tpu.vector_load_idx %gather3A_541[%add3A_536, %broadcast_in_dim3A_521] : memref<32x128xf32, #tpu.memory_space<vmem>>[vector<16xi32>, vector<16xi32>], vector<16xf32>,
      tpu.vector_store_idx %arg7[%add3A_536, %broadcast_in_dim3A_524], %gather3A_542 : memref<32x512xf32, #tpu.memory_space<vmem>>[vector<16xi32>, vector<16xi32>], vector<16xf32>,
      %dma_wait3A_543 = arith.constant 7 : i32
      %dma_wait3A_544 = arith.constant 0 : i32
      %dma_wait3A_545 = arith.constant 0 : i32
      %dma_wait3A_546 = tpu.memref_slice %arg6[%dma_wait3A_543, %dma_wait3A_544, %dma_wait3A_545] : memref<16x32x128xf32, #tpu.memory_space<vmem>> -> memref<1x32x128xf32, #tpu.memory_space<vmem>>
      %dma_wait3A_547 = tpu.memref_squeeze %dma_wait3A_546 : memref<1x32x128xf32, #tpu.memory_space<vmem>> -> memref<32x128xf32, #tpu.memory_space<vmem>>
      %dma_wait3A_548 = arith.constant 0 : i32
      %dma_wait3A_549 = tpu.memref_slice %arg2[%dma_wait3A_548, %mul3A_137] : memref<32x1000000xf32, #tpu.memory_space<hbm>> -> memref<32x128xf32, #tpu.memory_space<hbm>>
      %dma_wait3A_550 = arith.constant 0 : i32
      %dma_wait3A_551 = arith.constant 0 : i32
      %dma_wait3A_552 = tpu.memref_slice %arg6[%dma_wait3A_543, %dma_wait3A_550, %dma_wait3A_551] : memref<16x32x128xf32, #tpu.memory_space<vmem>> -> memref<1x32x128xf32, #tpu.memory_space<vmem>>
      %dma_wait3A_553 = tpu.memref_squeeze %dma_wait3A_552 : memref<1x32x128xf32, #tpu.memory_space<vmem>> -> memref<32x128xf32, #tpu.memory_space<vmem>>
      %dma_wait3A_554 = arith.constant 0 : i32
      %dma_wait3A_555 = tpu.memref_slice %arg2[%dma_wait3A_554, %mul3A_137] : memref<32x1000000xf32, #tpu.memory_space<hbm>> -> memref<32x128xf32, #tpu.memory_space<hbm>>
      tpu.wait_dma2 semaphore(%arg8 : memref<!tpu.dma_semaphore, #tpu.memory_space<semaphore_mem>>) src(%dma_wait3A_555 : memref<32x128xf32, #tpu.memory_space<hbm>>) dst(%dma_wait3A_553 : memref<32x128xf32, #tpu.memory_space<vmem>>)
      %slice3A_556 = vector.extract_strided_slice %and3A_17 {offsets = [7], sizes = [1], strides = [1]} : vector<16xi32> to vector<1xi32>
      %squeeze3A_557 = vector.extract %slice3A_556[0] : i32 from vector<1xi32>
      %broadcast_in_dim3A_558 = vector.broadcast %squeeze3A_557 : i32 to vector<16xi32>
      %add3A_559 = arith.constant 7 : i32
      %add3A_560 = arith.addi %mul3A_12, %add3A_559 : i32
      %broadcast_in_dim3A_561 = vector.broadcast %add3A_560 : i32 to vector<16xi32>
      %add3A_562 = arith.constant 0 : i32
      %add3A_563 = vector.broadcast %add3A_562 : i32 to vector<16xi32>
      %add3A_564 = arith.addi %iota3A, %add3A_563 : vector<16xi32>
      %gather3A_565 = arith.constant 7 : i32
      %gather3A_566 = arith.constant 0 : i32
      %gather3A_567 = arith.constant 0 : i32
      %gather3A_568 = tpu.memref_slice %arg6[%gather3A_565, %gather3A_566, %gather3A_567] : memref<16x32x128xf32, #tpu.memory_space<vmem>> -> memref<1x32x128xf32, #tpu.memory_space<vmem>>
      %gather3A_569 = tpu.memref_squeeze %gather3A_568 : memref<1x32x128xf32, #tpu.memory_space<vmem>> -> memref<32x128xf32, #tpu.memory_space<vmem>>
      %gather3A_570 = tpu.vector_load_idx %gather3A_569[%add3A_564, %broadcast_in_dim3A_558] : memref<32x128xf32, #tpu.memory_space<vmem>>[vector<16xi32>, vector<16xi32>], vector<16xf32>,
      tpu.vector_store_idx %arg7[%add3A_564, %broadcast_in_dim3A_561], %gather3A_570 : memref<32x512xf32, #tpu.memory_space<vmem>>[vector<16xi32>, vector<16xi32>], vector<16xf32>,
      %add3A_571 = arith.constant 16 : i32
      %add3A_572 = vector.broadcast %add3A_571 : i32 to vector<16xi32>
      %add3A_573 = arith.addi %iota3A, %add3A_572 : vector<16xi32>
      %gather3A_574 = arith.constant 7 : i32
      %gather3A_575 = arith.constant 0 : i32
      %gather3A_576 = arith.constant 0 : i32
      %gather3A_577 = tpu.memref_slice %arg6[%gather3A_574, %gather3A_575, %gather3A_576] : memref<16x32x128xf32, #tpu.memory_space<vmem>> -> memref<1x32x128xf32, #tpu.memory_space<vmem>>
      %gather3A_578 = tpu.memref_squeeze %gather3A_577 : memref<1x32x128xf32, #tpu.memory_space<vmem>> -> memref<32x128xf32, #tpu.memory_space<vmem>>
      %gather3A_579 = tpu.vector_load_idx %gather3A_578[%add3A_573, %broadcast_in_dim3A_558] : memref<32x128xf32, #tpu.memory_space<vmem>>[vector<16xi32>, vector<16xi32>], vector<16xf32>,
      tpu.vector_store_idx %arg7[%add3A_573, %broadcast_in_dim3A_561], %gather3A_579 : memref<32x512xf32, #tpu.memory_space<vmem>>[vector<16xi32>, vector<16xi32>], vector<16xf32>,
      %dma_wait3A_580 = arith.constant 8 : i32
      %dma_wait3A_581 = arith.constant 0 : i32
      %dma_wait3A_582 = arith.constant 0 : i32
      %dma_wait3A_583 = tpu.memref_slice %arg6[%dma_wait3A_580, %dma_wait3A_581, %dma_wait3A_582] : memref<16x32x128xf32, #tpu.memory_space<vmem>> -> memref<1x32x128xf32, #tpu.memory_space<vmem>>
      %dma_wait3A_584 = tpu.memref_squeeze %dma_wait3A_583 : memref<1x32x128xf32, #tpu.memory_space<vmem>> -> memref<32x128xf32, #tpu.memory_space<vmem>>
      %dma_wait3A_585 = arith.constant 0 : i32
      %dma_wait3A_586 = tpu.memref_slice %arg2[%dma_wait3A_585, %mul3A_154] : memref<32x1000000xf32, #tpu.memory_space<hbm>> -> memref<32x128xf32, #tpu.memory_space<hbm>>
      %dma_wait3A_587 = arith.constant 0 : i32
      %dma_wait3A_588 = arith.constant 0 : i32
      %dma_wait3A_589 = tpu.memref_slice %arg6[%dma_wait3A_580, %dma_wait3A_587, %dma_wait3A_588] : memref<16x32x128xf32, #tpu.memory_space<vmem>> -> memref<1x32x128xf32, #tpu.memory_space<vmem>>
      %dma_wait3A_590 = tpu.memref_squeeze %dma_wait3A_589 : memref<1x32x128xf32, #tpu.memory_space<vmem>> -> memref<32x128xf32, #tpu.memory_space<vmem>>
      %dma_wait3A_591 = arith.constant 0 : i32
      %dma_wait3A_592 = tpu.memref_slice %arg2[%dma_wait3A_591, %mul3A_154] : memref<32x1000000xf32, #tpu.memory_space<hbm>> -> memref<32x128xf32, #tpu.memory_space<hbm>>
      tpu.wait_dma2 semaphore(%arg8 : memref<!tpu.dma_semaphore, #tpu.memory_space<semaphore_mem>>) src(%dma_wait3A_592 : memref<32x128xf32, #tpu.memory_space<hbm>>) dst(%dma_wait3A_590 : memref<32x128xf32, #tpu.memory_space<vmem>>)
      %slice3A_593 = vector.extract_strided_slice %and3A_17 {offsets = [8], sizes = [1], strides = [1]} : vector<16xi32> to vector<1xi32>
      %squeeze3A_594 = vector.extract %slice3A_593[0] : i32 from vector<1xi32>
      %broadcast_in_dim3A_595 = vector.broadcast %squeeze3A_594 : i32 to vector<16xi32>
      %add3A_596 = arith.constant 8 : i32
      %add3A_597 = arith.addi %mul3A_12, %add3A_596 : i32
      %broadcast_in_dim3A_598 = vector.broadcast %add3A_597 : i32 to vector<16xi32>
      %add3A_599 = arith.constant 0 : i32
      %add3A_600 = vector.broadcast %add3A_599 : i32 to vector<16xi32>
      %add3A_601 = arith.addi %iota3A, %add3A_600 : vector<16xi32>
      %gather3A_602 = arith.constant 8 : i32
      %gather3A_603 = arith.constant 0 : i32
      %gather3A_604 = arith.constant 0 : i32
      %gather3A_605 = tpu.memref_slice %arg6[%gather3A_602, %gather3A_603, %gather3A_604] : memref<16x32x128xf32, #tpu.memory_space<vmem>> -> memref<1x32x128xf32, #tpu.memory_space<vmem>>
      %gather3A_606 = tpu.memref_squeeze %gather3A_605 : memref<1x32x128xf32, #tpu.memory_space<vmem>> -> memref<32x128xf32, #tpu.memory_space<vmem>>
      %gather3A_607 = tpu.vector_load_idx %gather3A_606[%add3A_601, %broadcast_in_dim3A_595] : memref<32x128xf32, #tpu.memory_space<vmem>>[vector<16xi32>, vector<16xi32>], vector<16xf32>,
      tpu.vector_store_idx %arg7[%add3A_601, %broadcast_in_dim3A_598], %gather3A_607 : memref<32x512xf32, #tpu.memory_space<vmem>>[vector<16xi32>, vector<16xi32>], vector<16xf32>,
      %add3A_608 = arith.constant 16 : i32
      %add3A_609 = vector.broadcast %add3A_608 : i32 to vector<16xi32>
      %add3A_610 = arith.addi %iota3A, %add3A_609 : vector<16xi32>
      %gather3A_611 = arith.constant 8 : i32
      %gather3A_612 = arith.constant 0 : i32
      %gather3A_613 = arith.constant 0 : i32
      %gather3A_614 = tpu.memref_slice %arg6[%gather3A_611, %gather3A_612, %gather3A_613] : memref<16x32x128xf32, #tpu.memory_space<vmem>> -> memref<1x32x128xf32, #tpu.memory_space<vmem>>
      %gather3A_615 = tpu.memref_squeeze %gather3A_614 : memref<1x32x128xf32, #tpu.memory_space<vmem>> -> memref<32x128xf32, #tpu.memory_space<vmem>>
      %gather3A_616 = tpu.vector_load_idx %gather3A_615[%add3A_610, %broadcast_in_dim3A_595] : memref<32x128xf32, #tpu.memory_space<vmem>>[vector<16xi32>, vector<16xi32>], vector<16xf32>,
      tpu.vector_store_idx %arg7[%add3A_610, %broadcast_in_dim3A_598], %gather3A_616 : memref<32x512xf32, #tpu.memory_space<vmem>>[vector<16xi32>, vector<16xi32>], vector<16xf32>,
      %dma_wait3A_617 = arith.constant 9 : i32
      %dma_wait3A_618 = arith.constant 0 : i32
      %dma_wait3A_619 = arith.constant 0 : i32
      %dma_wait3A_620 = tpu.memref_slice %arg6[%dma_wait3A_617, %dma_wait3A_618, %dma_wait3A_619] : memref<16x32x128xf32, #tpu.memory_space<vmem>> -> memref<1x32x128xf32, #tpu.memory_space<vmem>>
      %dma_wait3A_621 = tpu.memref_squeeze %dma_wait3A_620 : memref<1x32x128xf32, #tpu.memory_space<vmem>> -> memref<32x128xf32, #tpu.memory_space<vmem>>
      %dma_wait3A_622 = arith.constant 0 : i32
      %dma_wait3A_623 = tpu.memref_slice %arg2[%dma_wait3A_622, %mul3A_171] : memref<32x1000000xf32, #tpu.memory_space<hbm>> -> memref<32x128xf32, #tpu.memory_space<hbm>>
      %dma_wait3A_624 = arith.constant 0 : i32
      %dma_wait3A_625 = arith.constant 0 : i32
      %dma_wait3A_626 = tpu.memref_slice %arg6[%dma_wait3A_617, %dma_wait3A_624, %dma_wait3A_625] : memref<16x32x128xf32, #tpu.memory_space<vmem>> -> memref<1x32x128xf32, #tpu.memory_space<vmem>>
      %dma_wait3A_627 = tpu.memref_squeeze %dma_wait3A_626 : memref<1x32x128xf32, #tpu.memory_space<vmem>> -> memref<32x128xf32, #tpu.memory_space<vmem>>
      %dma_wait3A_628 = arith.constant 0 : i32
      %dma_wait3A_629 = tpu.memref_slice %arg2[%dma_wait3A_628, %mul3A_171] : memref<32x1000000xf32, #tpu.memory_space<hbm>> -> memref<32x128xf32, #tpu.memory_space<hbm>>
      tpu.wait_dma2 semaphore(%arg8 : memref<!tpu.dma_semaphore, #tpu.memory_space<semaphore_mem>>) src(%dma_wait3A_629 : memref<32x128xf32, #tpu.memory_space<hbm>>) dst(%dma_wait3A_627 : memref<32x128xf32, #tpu.memory_space<vmem>>)
      %slice3A_630 = vector.extract_strided_slice %and3A_17 {offsets = [9], sizes = [1], strides = [1]} : vector<16xi32> to vector<1xi32>
      %squeeze3A_631 = vector.extract %slice3A_630[0] : i32 from vector<1xi32>
      %broadcast_in_dim3A_632 = vector.broadcast %squeeze3A_631 : i32 to vector<16xi32>
      %add3A_633 = arith.constant 9 : i32
      %add3A_634 = arith.addi %mul3A_12, %add3A_633 : i32
      %broadcast_in_dim3A_635 = vector.broadcast %add3A_634 : i32 to vector<16xi32>
      %add3A_636 = arith.constant 0 : i32
      %add3A_637 = vector.broadcast %add3A_636 : i32 to vector<16xi32>
      %add3A_638 = arith.addi %iota3A, %add3A_637 : vector<16xi32>
      %gather3A_639 = arith.constant 9 : i32
      %gather3A_640 = arith.constant 0 : i32
      %gather3A_641 = arith.constant 0 : i32
      %gather3A_642 = tpu.memref_slice %arg6[%gather3A_639, %gather3A_640, %gather3A_641] : memref<16x32x128xf32, #tpu.memory_space<vmem>> -> memref<1x32x128xf32, #tpu.memory_space<vmem>>
      %gather3A_643 = tpu.memref_squeeze %gather3A_642 : memref<1x32x128xf32, #tpu.memory_space<vmem>> -> memref<32x128xf32, #tpu.memory_space<vmem>>
      %gather3A_644 = tpu.vector_load_idx %gather3A_643[%add3A_638, %broadcast_in_dim3A_632] : memref<32x128xf32, #tpu.memory_space<vmem>>[vector<16xi32>, vector<16xi32>], vector<16xf32>,
      tpu.vector_store_idx %arg7[%add3A_638, %broadcast_in_dim3A_635], %gather3A_644 : memref<32x512xf32, #tpu.memory_space<vmem>>[vector<16xi32>, vector<16xi32>], vector<16xf32>,
      %add3A_645 = arith.constant 16 : i32
      %add3A_646 = vector.broadcast %add3A_645 : i32 to vector<16xi32>
      %add3A_647 = arith.addi %iota3A, %add3A_646 : vector<16xi32>
      %gather3A_648 = arith.constant 9 : i32
      %gather3A_649 = arith.constant 0 : i32
      %gather3A_650 = arith.constant 0 : i32
      %gather3A_651 = tpu.memref_slice %arg6[%gather3A_648, %gather3A_649, %gather3A_650] : memref<16x32x128xf32, #tpu.memory_space<vmem>> -> memref<1x32x128xf32, #tpu.memory_space<vmem>>
      %gather3A_652 = tpu.memref_squeeze %gather3A_651 : memref<1x32x128xf32, #tpu.memory_space<vmem>> -> memref<32x128xf32, #tpu.memory_space<vmem>>
      %gather3A_653 = tpu.vector_load_idx %gather3A_652[%add3A_647, %broadcast_in_dim3A_632] : memref<32x128xf32, #tpu.memory_space<vmem>>[vector<16xi32>, vector<16xi32>], vector<16xf32>,
      tpu.vector_store_idx %arg7[%add3A_647, %broadcast_in_dim3A_635], %gather3A_653 : memref<32x512xf32, #tpu.memory_space<vmem>>[vector<16xi32>, vector<16xi32>], vector<16xf32>,
      %dma_wait3A_654 = arith.constant 10 : i32
      %dma_wait3A_655 = arith.constant 0 : i32
      %dma_wait3A_656 = arith.constant 0 : i32
      %dma_wait3A_657 = tpu.memref_slice %arg6[%dma_wait3A_654, %dma_wait3A_655, %dma_wait3A_656] : memref<16x32x128xf32, #tpu.memory_space<vmem>> -> memref<1x32x128xf32, #tpu.memory_space<vmem>>
      %dma_wait3A_658 = tpu.memref_squeeze %dma_wait3A_657 : memref<1x32x128xf32, #tpu.memory_space<vmem>> -> memref<32x128xf32, #tpu.memory_space<vmem>>
      %dma_wait3A_659 = arith.constant 0 : i32
      %dma_wait3A_660 = tpu.memref_slice %arg2[%dma_wait3A_659, %mul3A_188] : memref<32x1000000xf32, #tpu.memory_space<hbm>> -> memref<32x128xf32, #tpu.memory_space<hbm>>
      %dma_wait3A_661 = arith.constant 0 : i32
      %dma_wait3A_662 = arith.constant 0 : i32
      %dma_wait3A_663 = tpu.memref_slice %arg6[%dma_wait3A_654, %dma_wait3A_661, %dma_wait3A_662] : memref<16x32x128xf32, #tpu.memory_space<vmem>> -> memref<1x32x128xf32, #tpu.memory_space<vmem>>
      %dma_wait3A_664 = tpu.memref_squeeze %dma_wait3A_663 : memref<1x32x128xf32, #tpu.memory_space<vmem>> -> memref<32x128xf32, #tpu.memory_space<vmem>>
      %dma_wait3A_665 = arith.constant 0 : i32
      %dma_wait3A_666 = tpu.memref_slice %arg2[%dma_wait3A_665, %mul3A_188] : memref<32x1000000xf32, #tpu.memory_space<hbm>> -> memref<32x128xf32, #tpu.memory_space<hbm>>
      tpu.wait_dma2 semaphore(%arg8 : memref<!tpu.dma_semaphore, #tpu.memory_space<semaphore_mem>>) src(%dma_wait3A_666 : memref<32x128xf32, #tpu.memory_space<hbm>>) dst(%dma_wait3A_664 : memref<32x128xf32, #tpu.memory_space<vmem>>)
      %slice3A_667 = vector.extract_strided_slice %and3A_17 {offsets = [10], sizes = [1], strides = [1]} : vector<16xi32> to vector<1xi32>
      %squeeze3A_668 = vector.extract %slice3A_667[0] : i32 from vector<1xi32>
      %broadcast_in_dim3A_669 = vector.broadcast %squeeze3A_668 : i32 to vector<16xi32>
      %add3A_670 = arith.constant 10 : i32
      %add3A_671 = arith.addi %mul3A_12, %add3A_670 : i32
      %broadcast_in_dim3A_672 = vector.broadcast %add3A_671 : i32 to vector<16xi32>
      %add3A_673 = arith.constant 0 : i32
      %add3A_674 = vector.broadcast %add3A_673 : i32 to vector<16xi32>
      %add3A_675 = arith.addi %iota3A, %add3A_674 : vector<16xi32>
      %gather3A_676 = arith.constant 10 : i32
      %gather3A_677 = arith.constant 0 : i32
      %gather3A_678 = arith.constant 0 : i32
      %gather3A_679 = tpu.memref_slice %arg6[%gather3A_676, %gather3A_677, %gather3A_678] : memref<16x32x128xf32, #tpu.memory_space<vmem>> -> memref<1x32x128xf32, #tpu.memory_space<vmem>>
      %gather3A_680 = tpu.memref_squeeze %gather3A_679 : memref<1x32x128xf32, #tpu.memory_space<vmem>> -> memref<32x128xf32, #tpu.memory_space<vmem>>
      %gather3A_681 = tpu.vector_load_idx %gather3A_680[%add3A_675, %broadcast_in_dim3A_669] : memref<32x128xf32, #tpu.memory_space<vmem>>[vector<16xi32>, vector<16xi32>], vector<16xf32>,
      tpu.vector_store_idx %arg7[%add3A_675, %broadcast_in_dim3A_672], %gather3A_681 : memref<32x512xf32, #tpu.memory_space<vmem>>[vector<16xi32>, vector<16xi32>], vector<16xf32>,
      %add3A_682 = arith.constant 16 : i32
      %add3A_683 = vector.broadcast %add3A_682 : i32 to vector<16xi32>
      %add3A_684 = arith.addi %iota3A, %add3A_683 : vector<16xi32>
      %gather3A_685 = arith.constant 10 : i32
      %gather3A_686 = arith.constant 0 : i32
      %gather3A_687 = arith.constant 0 : i32
      %gather3A_688 = tpu.memref_slice %arg6[%gather3A_685, %gather3A_686, %gather3A_687] : memref<16x32x128xf32, #tpu.memory_space<vmem>> -> memref<1x32x128xf32, #tpu.memory_space<vmem>>
      %gather3A_689 = tpu.memref_squeeze %gather3A_688 : memref<1x32x128xf32, #tpu.memory_space<vmem>> -> memref<32x128xf32, #tpu.memory_space<vmem>>
      %gather3A_690 = tpu.vector_load_idx %gather3A_689[%add3A_684, %broadcast_in_dim3A_669] : memref<32x128xf32, #tpu.memory_space<vmem>>[vector<16xi32>, vector<16xi32>], vector<16xf32>,
      tpu.vector_store_idx %arg7[%add3A_684, %broadcast_in_dim3A_672], %gather3A_690 : memref<32x512xf32, #tpu.memory_space<vmem>>[vector<16xi32>, vector<16xi32>], vector<16xf32>,
      %dma_wait3A_691 = arith.constant 11 : i32
      %dma_wait3A_692 = arith.constant 0 : i32
      %dma_wait3A_693 = arith.constant 0 : i32
      %dma_wait3A_694 = tpu.memref_slice %arg6[%dma_wait3A_691, %dma_wait3A_692, %dma_wait3A_693] : memref<16x32x128xf32, #tpu.memory_space<vmem>> -> memref<1x32x128xf32, #tpu.memory_space<vmem>>
      %dma_wait3A_695 = tpu.memref_squeeze %dma_wait3A_694 : memref<1x32x128xf32, #tpu.memory_space<vmem>> -> memref<32x128xf32, #tpu.memory_space<vmem>>
      %dma_wait3A_696 = arith.constant 0 : i32
      %dma_wait3A_697 = tpu.memref_slice %arg2[%dma_wait3A_696, %mul3A_205] : memref<32x1000000xf32, #tpu.memory_space<hbm>> -> memref<32x128xf32, #tpu.memory_space<hbm>>
      %dma_wait3A_698 = arith.constant 0 : i32
      %dma_wait3A_699 = arith.constant 0 : i32
      %dma_wait3A_700 = tpu.memref_slice %arg6[%dma_wait3A_691, %dma_wait3A_698, %dma_wait3A_699] : memref<16x32x128xf32, #tpu.memory_space<vmem>> -> memref<1x32x128xf32, #tpu.memory_space<vmem>>
      %dma_wait3A_701 = tpu.memref_squeeze %dma_wait3A_700 : memref<1x32x128xf32, #tpu.memory_space<vmem>> -> memref<32x128xf32, #tpu.memory_space<vmem>>
      %dma_wait3A_702 = arith.constant 0 : i32
      %dma_wait3A_703 = tpu.memref_slice %arg2[%dma_wait3A_702, %mul3A_205] : memref<32x1000000xf32, #tpu.memory_space<hbm>> -> memref<32x128xf32, #tpu.memory_space<hbm>>
      tpu.wait_dma2 semaphore(%arg8 : memref<!tpu.dma_semaphore, #tpu.memory_space<semaphore_mem>>) src(%dma_wait3A_703 : memref<32x128xf32, #tpu.memory_space<hbm>>) dst(%dma_wait3A_701 : memref<32x128xf32, #tpu.memory_space<vmem>>)
      %slice3A_704 = vector.extract_strided_slice %and3A_17 {offsets = [11], sizes = [1], strides = [1]} : vector<16xi32> to vector<1xi32>
      %squeeze3A_705 = vector.extract %slice3A_704[0] : i32 from vector<1xi32>
      %broadcast_in_dim3A_706 = vector.broadcast %squeeze3A_705 : i32 to vector<16xi32>
      %add3A_707 = arith.constant 11 : i32
      %add3A_708 = arith.addi %mul3A_12, %add3A_707 : i32
      %broadcast_in_dim3A_709 = vector.broadcast %add3A_708 : i32 to vector<16xi32>
      %add3A_710 = arith.constant 0 : i32
      %add3A_711 = vector.broadcast %add3A_710 : i32 to vector<16xi32>
      %add3A_712 = arith.addi %iota3A, %add3A_711 : vector<16xi32>
      %gather3A_713 = arith.constant 11 : i32
      %gather3A_714 = arith.constant 0 : i32
      %gather3A_715 = arith.constant 0 : i32
      %gather3A_716 = tpu.memref_slice %arg6[%gather3A_713, %gather3A_714, %gather3A_715] : memref<16x32x128xf32, #tpu.memory_space<vmem>> -> memref<1x32x128xf32, #tpu.memory_space<vmem>>
      %gather3A_717 = tpu.memref_squeeze %gather3A_716 : memref<1x32x128xf32, #tpu.memory_space<vmem>> -> memref<32x128xf32, #tpu.memory_space<vmem>>
      %gather3A_718 = tpu.vector_load_idx %gather3A_717[%add3A_712, %broadcast_in_dim3A_706] : memref<32x128xf32, #tpu.memory_space<vmem>>[vector<16xi32>, vector<16xi32>], vector<16xf32>,
      tpu.vector_store_idx %arg7[%add3A_712, %broadcast_in_dim3A_709], %gather3A_718 : memref<32x512xf32, #tpu.memory_space<vmem>>[vector<16xi32>, vector<16xi32>], vector<16xf32>,
      %add3A_719 = arith.constant 16 : i32
      %add3A_720 = vector.broadcast %add3A_719 : i32 to vector<16xi32>
      %add3A_721 = arith.addi %iota3A, %add3A_720 : vector<16xi32>
      %gather3A_722 = arith.constant 11 : i32
      %gather3A_723 = arith.constant 0 : i32
      %gather3A_724 = arith.constant 0 : i32
      %gather3A_725 = tpu.memref_slice %arg6[%gather3A_722, %gather3A_723, %gather3A_724] : memref<16x32x128xf32, #tpu.memory_space<vmem>> -> memref<1x32x128xf32, #tpu.memory_space<vmem>>
      %gather3A_726 = tpu.memref_squeeze %gather3A_725 : memref<1x32x128xf32, #tpu.memory_space<vmem>> -> memref<32x128xf32, #tpu.memory_space<vmem>>
      %gather3A_727 = tpu.vector_load_idx %gather3A_726[%add3A_721, %broadcast_in_dim3A_706] : memref<32x128xf32, #tpu.memory_space<vmem>>[vector<16xi32>, vector<16xi32>], vector<16xf32>,
      tpu.vector_store_idx %arg7[%add3A_721, %broadcast_in_dim3A_709], %gather3A_727 : memref<32x512xf32, #tpu.memory_space<vmem>>[vector<16xi32>, vector<16xi32>], vector<16xf32>,
      %dma_wait3A_728 = arith.constant 12 : i32
      %dma_wait3A_729 = arith.constant 0 : i32
      %dma_wait3A_730 = arith.constant 0 : i32
      %dma_wait3A_731 = tpu.memref_slice %arg6[%dma_wait3A_728, %dma_wait3A_729, %dma_wait3A_730] : memref<16x32x128xf32, #tpu.memory_space<vmem>> -> memref<1x32x128xf32, #tpu.memory_space<vmem>>
      %dma_wait3A_732 = tpu.memref_squeeze %dma_wait3A_731 : memref<1x32x128xf32, #tpu.memory_space<vmem>> -> memref<32x128xf32, #tpu.memory_space<vmem>>
      %dma_wait3A_733 = arith.constant 0 : i32
      %dma_wait3A_734 = tpu.memref_slice %arg2[%dma_wait3A_733, %mul3A_222] : memref<32x1000000xf32, #tpu.memory_space<hbm>> -> memref<32x128xf32, #tpu.memory_space<hbm>>
      %dma_wait3A_735 = arith.constant 0 : i32
      %dma_wait3A_736 = arith.constant 0 : i32
      %dma_wait3A_737 = tpu.memref_slice %arg6[%dma_wait3A_728, %dma_wait3A_735, %dma_wait3A_736] : memref<16x32x128xf32, #tpu.memory_space<vmem>> -> memref<1x32x128xf32, #tpu.memory_space<vmem>>
      %dma_wait3A_738 = tpu.memref_squeeze %dma_wait3A_737 : memref<1x32x128xf32, #tpu.memory_space<vmem>> -> memref<32x128xf32, #tpu.memory_space<vmem>>
      %dma_wait3A_739 = arith.constant 0 : i32
      %dma_wait3A_740 = tpu.memref_slice %arg2[%dma_wait3A_739, %mul3A_222] : memref<32x1000000xf32, #tpu.memory_space<hbm>> -> memref<32x128xf32, #tpu.memory_space<hbm>>
      tpu.wait_dma2 semaphore(%arg8 : memref<!tpu.dma_semaphore, #tpu.memory_space<semaphore_mem>>) src(%dma_wait3A_740 : memref<32x128xf32, #tpu.memory_space<hbm>>) dst(%dma_wait3A_738 : memref<32x128xf32, #tpu.memory_space<vmem>>)
      %slice3A_741 = vector.extract_strided_slice %and3A_17 {offsets = [12], sizes = [1], strides = [1]} : vector<16xi32> to vector<1xi32>
      %squeeze3A_742 = vector.extract %slice3A_741[0] : i32 from vector<1xi32>
      %broadcast_in_dim3A_743 = vector.broadcast %squeeze3A_742 : i32 to vector<16xi32>
      %add3A_744 = arith.constant 12 : i32
      %add3A_745 = arith.addi %mul3A_12, %add3A_744 : i32
      %broadcast_in_dim3A_746 = vector.broadcast %add3A_745 : i32 to vector<16xi32>
      %add3A_747 = arith.constant 0 : i32
      %add3A_748 = vector.broadcast %add3A_747 : i32 to vector<16xi32>
      %add3A_749 = arith.addi %iota3A, %add3A_748 : vector<16xi32>
      %gather3A_750 = arith.constant 12 : i32
      %gather3A_751 = arith.constant 0 : i32
      %gather3A_752 = arith.constant 0 : i32
      %gather3A_753 = tpu.memref_slice %arg6[%gather3A_750, %gather3A_751, %gather3A_752] : memref<16x32x128xf32, #tpu.memory_space<vmem>> -> memref<1x32x128xf32, #tpu.memory_space<vmem>>
      %gather3A_754 = tpu.memref_squeeze %gather3A_753 : memref<1x32x128xf32, #tpu.memory_space<vmem>> -> memref<32x128xf32, #tpu.memory_space<vmem>>
      %gather3A_755 = tpu.vector_load_idx %gather3A_754[%add3A_749, %broadcast_in_dim3A_743] : memref<32x128xf32, #tpu.memory_space<vmem>>[vector<16xi32>, vector<16xi32>], vector<16xf32>,
      tpu.vector_store_idx %arg7[%add3A_749, %broadcast_in_dim3A_746], %gather3A_755 : memref<32x512xf32, #tpu.memory_space<vmem>>[vector<16xi32>, vector<16xi32>], vector<16xf32>,
      %add3A_756 = arith.constant 16 : i32
      %add3A_757 = vector.broadcast %add3A_756 : i32 to vector<16xi32>
      %add3A_758 = arith.addi %iota3A, %add3A_757 : vector<16xi32>
      %gather3A_759 = arith.constant 12 : i32
      %gather3A_760 = arith.constant 0 : i32
      %gather3A_761 = arith.constant 0 : i32
      %gather3A_762 = tpu.memref_slice %arg6[%gather3A_759, %gather3A_760, %gather3A_761] : memref<16x32x128xf32, #tpu.memory_space<vmem>> -> memref<1x32x128xf32, #tpu.memory_space<vmem>>
      %gather3A_763 = tpu.memref_squeeze %gather3A_762 : memref<1x32x128xf32, #tpu.memory_space<vmem>> -> memref<32x128xf32, #tpu.memory_space<vmem>>
      %gather3A_764 = tpu.vector_load_idx %gather3A_763[%add3A_758, %broadcast_in_dim3A_743] : memref<32x128xf32, #tpu.memory_space<vmem>>[vector<16xi32>, vector<16xi32>], vector<16xf32>,
      tpu.vector_store_idx %arg7[%add3A_758, %broadcast_in_dim3A_746], %gather3A_764 : memref<32x512xf32, #tpu.memory_space<vmem>>[vector<16xi32>, vector<16xi32>], vector<16xf32>,
      %dma_wait3A_765 = arith.constant 13 : i32
      %dma_wait3A_766 = arith.constant 0 : i32
      %dma_wait3A_767 = arith.constant 0 : i32
      %dma_wait3A_768 = tpu.memref_slice %arg6[%dma_wait3A_765, %dma_wait3A_766, %dma_wait3A_767] : memref<16x32x128xf32, #tpu.memory_space<vmem>> -> memref<1x32x128xf32, #tpu.memory_space<vmem>>
      %dma_wait3A_769 = tpu.memref_squeeze %dma_wait3A_768 : memref<1x32x128xf32, #tpu.memory_space<vmem>> -> memref<32x128xf32, #tpu.memory_space<vmem>>
      %dma_wait3A_770 = arith.constant 0 : i32
      %dma_wait3A_771 = tpu.memref_slice %arg2[%dma_wait3A_770, %mul3A_239] : memref<32x1000000xf32, #tpu.memory_space<hbm>> -> memref<32x128xf32, #tpu.memory_space<hbm>>
      %dma_wait3A_772 = arith.constant 0 : i32
      %dma_wait3A_773 = arith.constant 0 : i32
      %dma_wait3A_774 = tpu.memref_slice %arg6[%dma_wait3A_765, %dma_wait3A_772, %dma_wait3A_773] : memref<16x32x128xf32, #tpu.memory_space<vmem>> -> memref<1x32x128xf32, #tpu.memory_space<vmem>>
      %dma_wait3A_775 = tpu.memref_squeeze %dma_wait3A_774 : memref<1x32x128xf32, #tpu.memory_space<vmem>> -> memref<32x128xf32, #tpu.memory_space<vmem>>
      %dma_wait3A_776 = arith.constant 0 : i32
      %dma_wait3A_777 = tpu.memref_slice %arg2[%dma_wait3A_776, %mul3A_239] : memref<32x1000000xf32, #tpu.memory_space<hbm>> -> memref<32x128xf32, #tpu.memory_space<hbm>>
      tpu.wait_dma2 semaphore(%arg8 : memref<!tpu.dma_semaphore, #tpu.memory_space<semaphore_mem>>) src(%dma_wait3A_777 : memref<32x128xf32, #tpu.memory_space<hbm>>) dst(%dma_wait3A_775 : memref<32x128xf32, #tpu.memory_space<vmem>>)
      %slice3A_778 = vector.extract_strided_slice %and3A_17 {offsets = [13], sizes = [1], strides = [1]} : vector<16xi32> to vector<1xi32>
      %squeeze3A_779 = vector.extract %slice3A_778[0] : i32 from vector<1xi32>
      %broadcast_in_dim3A_780 = vector.broadcast %squeeze3A_779 : i32 to vector<16xi32>
      %add3A_781 = arith.constant 13 : i32
      %add3A_782 = arith.addi %mul3A_12, %add3A_781 : i32
      %broadcast_in_dim3A_783 = vector.broadcast %add3A_782 : i32 to vector<16xi32>
      %add3A_784 = arith.constant 0 : i32
      %add3A_785 = vector.broadcast %add3A_784 : i32 to vector<16xi32>
      %add3A_786 = arith.addi %iota3A, %add3A_785 : vector<16xi32>
      %gather3A_787 = arith.constant 13 : i32
      %gather3A_788 = arith.constant 0 : i32
      %gather3A_789 = arith.constant 0 : i32
      %gather3A_790 = tpu.memref_slice %arg6[%gather3A_787, %gather3A_788, %gather3A_789] : memref<16x32x128xf32, #tpu.memory_space<vmem>> -> memref<1x32x128xf32, #tpu.memory_space<vmem>>
      %gather3A_791 = tpu.memref_squeeze %gather3A_790 : memref<1x32x128xf32, #tpu.memory_space<vmem>> -> memref<32x128xf32, #tpu.memory_space<vmem>>
      %gather3A_792 = tpu.vector_load_idx %gather3A_791[%add3A_786, %broadcast_in_dim3A_780] : memref<32x128xf32, #tpu.memory_space<vmem>>[vector<16xi32>, vector<16xi32>], vector<16xf32>,
      tpu.vector_store_idx %arg7[%add3A_786, %broadcast_in_dim3A_783], %gather3A_792 : memref<32x512xf32, #tpu.memory_space<vmem>>[vector<16xi32>, vector<16xi32>], vector<16xf32>,
      %add3A_793 = arith.constant 16 : i32
      %add3A_794 = vector.broadcast %add3A_793 : i32 to vector<16xi32>
      %add3A_795 = arith.addi %iota3A, %add3A_794 : vector<16xi32>
      %gather3A_796 = arith.constant 13 : i32
      %gather3A_797 = arith.constant 0 : i32
      %gather3A_798 = arith.constant 0 : i32
      %gather3A_799 = tpu.memref_slice %arg6[%gather3A_796, %gather3A_797, %gather3A_798] : memref<16x32x128xf32, #tpu.memory_space<vmem>> -> memref<1x32x128xf32, #tpu.memory_space<vmem>>
      %gather3A_800 = tpu.memref_squeeze %gather3A_799 : memref<1x32x128xf32, #tpu.memory_space<vmem>> -> memref<32x128xf32, #tpu.memory_space<vmem>>
      %gather3A_801 = tpu.vector_load_idx %gather3A_800[%add3A_795, %broadcast_in_dim3A_780] : memref<32x128xf32, #tpu.memory_space<vmem>>[vector<16xi32>, vector<16xi32>], vector<16xf32>,
      tpu.vector_store_idx %arg7[%add3A_795, %broadcast_in_dim3A_783], %gather3A_801 : memref<32x512xf32, #tpu.memory_space<vmem>>[vector<16xi32>, vector<16xi32>], vector<16xf32>,
      %dma_wait3A_802 = arith.constant 14 : i32
      %dma_wait3A_803 = arith.constant 0 : i32
      %dma_wait3A_804 = arith.constant 0 : i32
      %dma_wait3A_805 = tpu.memref_slice %arg6[%dma_wait3A_802, %dma_wait3A_803, %dma_wait3A_804] : memref<16x32x128xf32, #tpu.memory_space<vmem>> -> memref<1x32x128xf32, #tpu.memory_space<vmem>>
      %dma_wait3A_806 = tpu.memref_squeeze %dma_wait3A_805 : memref<1x32x128xf32, #tpu.memory_space<vmem>> -> memref<32x128xf32, #tpu.memory_space<vmem>>
      %dma_wait3A_807 = arith.constant 0 : i32
      %dma_wait3A_808 = tpu.memref_slice %arg2[%dma_wait3A_807, %mul3A_256] : memref<32x1000000xf32, #tpu.memory_space<hbm>> -> memref<32x128xf32, #tpu.memory_space<hbm>>
      %dma_wait3A_809 = arith.constant 0 : i32
      %dma_wait3A_810 = arith.constant 0 : i32
      %dma_wait3A_811 = tpu.memref_slice %arg6[%dma_wait3A_802, %dma_wait3A_809, %dma_wait3A_810] : memref<16x32x128xf32, #tpu.memory_space<vmem>> -> memref<1x32x128xf32, #tpu.memory_space<vmem>>
      %dma_wait3A_812 = tpu.memref_squeeze %dma_wait3A_811 : memref<1x32x128xf32, #tpu.memory_space<vmem>> -> memref<32x128xf32, #tpu.memory_space<vmem>>
      %dma_wait3A_813 = arith.constant 0 : i32
      %dma_wait3A_814 = tpu.memref_slice %arg2[%dma_wait3A_813, %mul3A_256] : memref<32x1000000xf32, #tpu.memory_space<hbm>> -> memref<32x128xf32, #tpu.memory_space<hbm>>
      tpu.wait_dma2 semaphore(%arg8 : memref<!tpu.dma_semaphore, #tpu.memory_space<semaphore_mem>>) src(%dma_wait3A_814 : memref<32x128xf32, #tpu.memory_space<hbm>>) dst(%dma_wait3A_812 : memref<32x128xf32, #tpu.memory_space<vmem>>)
      %slice3A_815 = vector.extract_strided_slice %and3A_17 {offsets = [14], sizes = [1], strides = [1]} : vector<16xi32> to vector<1xi32>
      %squeeze3A_816 = vector.extract %slice3A_815[0] : i32 from vector<1xi32>
      %broadcast_in_dim3A_817 = vector.broadcast %squeeze3A_816 : i32 to vector<16xi32>
      %add3A_818 = arith.constant 14 : i32
      %add3A_819 = arith.addi %mul3A_12, %add3A_818 : i32
      %broadcast_in_dim3A_820 = vector.broadcast %add3A_819 : i32 to vector<16xi32>
      %add3A_821 = arith.constant 0 : i32
      %add3A_822 = vector.broadcast %add3A_821 : i32 to vector<16xi32>
      %add3A_823 = arith.addi %iota3A, %add3A_822 : vector<16xi32>
      %gather3A_824 = arith.constant 14 : i32
      %gather3A_825 = arith.constant 0 : i32
      %gather3A_826 = arith.constant 0 : i32
      %gather3A_827 = tpu.memref_slice %arg6[%gather3A_824, %gather3A_825, %gather3A_826] : memref<16x32x128xf32, #tpu.memory_space<vmem>> -> memref<1x32x128xf32, #tpu.memory_space<vmem>>
      %gather3A_828 = tpu.memref_squeeze %gather3A_827 : memref<1x32x128xf32, #tpu.memory_space<vmem>> -> memref<32x128xf32, #tpu.memory_space<vmem>>
      %gather3A_829 = tpu.vector_load_idx %gather3A_828[%add3A_823, %broadcast_in_dim3A_817] : memref<32x128xf32, #tpu.memory_space<vmem>>[vector<16xi32>, vector<16xi32>], vector<16xf32>,
      tpu.vector_store_idx %arg7[%add3A_823, %broadcast_in_dim3A_820], %gather3A_829 : memref<32x512xf32, #tpu.memory_space<vmem>>[vector<16xi32>, vector<16xi32>], vector<16xf32>,
      %add3A_830 = arith.constant 16 : i32
      %add3A_831 = vector.broadcast %add3A_830 : i32 to vector<16xi32>
      %add3A_832 = arith.addi %iota3A, %add3A_831 : vector<16xi32>
      %gather3A_833 = arith.constant 14 : i32
      %gather3A_834 = arith.constant 0 : i32
      %gather3A_835 = arith.constant 0 : i32
      %gather3A_836 = tpu.memref_slice %arg6[%gather3A_833, %gather3A_834, %gather3A_835] : memref<16x32x128xf32, #tpu.memory_space<vmem>> -> memref<1x32x128xf32, #tpu.memory_space<vmem>>
      %gather3A_837 = tpu.memref_squeeze %gather3A_836 : memref<1x32x128xf32, #tpu.memory_space<vmem>> -> memref<32x128xf32, #tpu.memory_space<vmem>>
      %gather3A_838 = tpu.vector_load_idx %gather3A_837[%add3A_832, %broadcast_in_dim3A_817] : memref<32x128xf32, #tpu.memory_space<vmem>>[vector<16xi32>, vector<16xi32>], vector<16xf32>,
      tpu.vector_store_idx %arg7[%add3A_832, %broadcast_in_dim3A_820], %gather3A_838 : memref<32x512xf32, #tpu.memory_space<vmem>>[vector<16xi32>, vector<16xi32>], vector<16xf32>,
      %dma_wait3A_839 = arith.constant 15 : i32
      %dma_wait3A_840 = arith.constant 0 : i32
      %dma_wait3A_841 = arith.constant 0 : i32
      %dma_wait3A_842 = tpu.memref_slice %arg6[%dma_wait3A_839, %dma_wait3A_840, %dma_wait3A_841] : memref<16x32x128xf32, #tpu.memory_space<vmem>> -> memref<1x32x128xf32, #tpu.memory_space<vmem>>
      %dma_wait3A_843 = tpu.memref_squeeze %dma_wait3A_842 : memref<1x32x128xf32, #tpu.memory_space<vmem>> -> memref<32x128xf32, #tpu.memory_space<vmem>>
      %dma_wait3A_844 = arith.constant 0 : i32
      %dma_wait3A_845 = tpu.memref_slice %arg2[%dma_wait3A_844, %mul3A_273] : memref<32x1000000xf32, #tpu.memory_space<hbm>> -> memref<32x128xf32, #tpu.memory_space<hbm>>
      %dma_wait3A_846 = arith.constant 0 : i32
      %dma_wait3A_847 = arith.constant 0 : i32
      %dma_wait3A_848 = tpu.memref_slice %arg6[%dma_wait3A_839, %dma_wait3A_846, %dma_wait3A_847] : memref<16x32x128xf32, #tpu.memory_space<vmem>> -> memref<1x32x128xf32, #tpu.memory_space<vmem>>
      %dma_wait3A_849 = tpu.memref_squeeze %dma_wait3A_848 : memref<1x32x128xf32, #tpu.memory_space<vmem>> -> memref<32x128xf32, #tpu.memory_space<vmem>>
      %dma_wait3A_850 = arith.constant 0 : i32
      %dma_wait3A_851 = tpu.memref_slice %arg2[%dma_wait3A_850, %mul3A_273] : memref<32x1000000xf32, #tpu.memory_space<hbm>> -> memref<32x128xf32, #tpu.memory_space<hbm>>
      tpu.wait_dma2 semaphore(%arg8 : memref<!tpu.dma_semaphore, #tpu.memory_space<semaphore_mem>>) src(%dma_wait3A_851 : memref<32x128xf32, #tpu.memory_space<hbm>>) dst(%dma_wait3A_849 : memref<32x128xf32, #tpu.memory_space<vmem>>)
      %slice3A_852 = vector.extract_strided_slice %and3A_17 {offsets = [15], sizes = [1], strides = [1]} : vector<16xi32> to vector<1xi32>
      %squeeze3A_853 = vector.extract %slice3A_852[0] : i32 from vector<1xi32>
      %broadcast_in_dim3A_854 = vector.broadcast %squeeze3A_853 : i32 to vector<16xi32>
      %add3A_855 = arith.constant 15 : i32
      %add3A_856 = arith.addi %mul3A_12, %add3A_855 : i32
      %broadcast_in_dim3A_857 = vector.broadcast %add3A_856 : i32 to vector<16xi32>
      %add3A_858 = arith.constant 0 : i32
      %add3A_859 = vector.broadcast %add3A_858 : i32 to vector<16xi32>
      %add3A_860 = arith.addi %iota3A, %add3A_859 : vector<16xi32>
      %gather3A_861 = arith.constant 15 : i32
      %gather3A_862 = arith.constant 0 : i32
      %gather3A_863 = arith.constant 0 : i32
      %gather3A_864 = tpu.memref_slice %arg6[%gather3A_861, %gather3A_862, %gather3A_863] : memref<16x32x128xf32, #tpu.memory_space<vmem>> -> memref<1x32x128xf32, #tpu.memory_space<vmem>>
      %gather3A_865 = tpu.memref_squeeze %gather3A_864 : memref<1x32x128xf32, #tpu.memory_space<vmem>> -> memref<32x128xf32, #tpu.memory_space<vmem>>
      %gather3A_866 = tpu.vector_load_idx %gather3A_865[%add3A_860, %broadcast_in_dim3A_854] : memref<32x128xf32, #tpu.memory_space<vmem>>[vector<16xi32>, vector<16xi32>], vector<16xf32>,
      tpu.vector_store_idx %arg7[%add3A_860, %broadcast_in_dim3A_857], %gather3A_866 : memref<32x512xf32, #tpu.memory_space<vmem>>[vector<16xi32>, vector<16xi32>], vector<16xf32>,
      %add3A_867 = arith.constant 16 : i32
      %add3A_868 = vector.broadcast %add3A_867 : i32 to vector<16xi32>
      %add3A_869 = arith.addi %iota3A, %add3A_868 : vector<16xi32>
      %gather3A_870 = arith.constant 15 : i32
      %gather3A_871 = arith.constant 0 : i32
      %gather3A_872 = arith.constant 0 : i32
      %gather3A_873 = tpu.memref_slice %arg6[%gather3A_870, %gather3A_871, %gather3A_872] : memref<16x32x128xf32, #tpu.memory_space<vmem>> -> memref<1x32x128xf32, #tpu.memory_space<vmem>>
      %gather3A_874 = tpu.memref_squeeze %gather3A_873 : memref<1x32x128xf32, #tpu.memory_space<vmem>> -> memref<32x128xf32, #tpu.memory_space<vmem>>
      %gather3A_875 = tpu.vector_load_idx %gather3A_874[%add3A_869, %broadcast_in_dim3A_854] : memref<32x128xf32, #tpu.memory_space<vmem>>[vector<16xi32>, vector<16xi32>], vector<16xf32>,
      tpu.vector_store_idx %arg7[%add3A_869, %broadcast_in_dim3A_857], %gather3A_875 : memref<32x512xf32, #tpu.memory_space<vmem>>[vector<16xi32>, vector<16xi32>], vector<16xf32>,
      %scan3A_876 = arith.constant 0 : i32
      scf.yield %scan3A_876 : i32
    }
    %scan3A_8 = arith.constant 32 : i32
    "tpu.region"() ({
      %run_scoped3A = tpu.sem_alloc : memref<!tpu.dma_semaphore, #tpu.memory_space<semaphore_mem>>
      %dma_start3A = arith.constant 0 : i32
      %dma_start3A_9 = tpu.memref_slice %arg4[%dma_start3A, %mul3A_2] : memref<32x16384xf32, #tpu.memory_space<hbm>> -> memref<32x512xf32, #tpu.memory_space<hbm>>
      %dma_start3A_10 = arith.constant 0 : i32
      %dma_start3A_11 = tpu.memref_slice %arg4[%dma_start3A_10, %mul3A_2] : memref<32x16384xf32, #tpu.memory_space<hbm>> -> memref<32x512xf32, #tpu.memory_space<hbm>>
      tpu.enqueue_dma source(%arg7 : memref<32x512xf32, #tpu.memory_space<vmem>>) target(%dma_start3A_11 : memref<32x512xf32, #tpu.memory_space<hbm>>) target_semaphore(%run_scoped3A : memref<!tpu.dma_semaphore, #tpu.memory_space<semaphore_mem>>)
      %dma_wait3A = arith.constant 0 : i32
      %dma_wait3A_12 = tpu.memref_slice %arg4[%dma_wait3A, %mul3A_2] : memref<32x16384xf32, #tpu.memory_space<hbm>> -> memref<32x512xf32, #tpu.memory_space<hbm>>
      %dma_wait3A_13 = arith.constant 0 : i32
      %dma_wait3A_14 = tpu.memref_slice %arg4[%dma_wait3A_13, %mul3A_2] : memref<32x16384xf32, #tpu.memory_space<hbm>> -> memref<32x512xf32, #tpu.memory_space<hbm>>
      tpu.wait_dma2 semaphore(%run_scoped3A : memref<!tpu.dma_semaphore, #tpu.memory_space<semaphore_mem>>) src(%arg7 : memref<32x512xf32, #tpu.memory_space<vmem>>) dst(%dma_wait3A_14 : memref<32x512xf32, #tpu.memory_space<hbm>>)
      tpu.yield
    }) : () -> ()
    return
  }
}

</mosaic_0001>

<sc_bundles>
// kernel: kernel.3.cloned.1.call-start
scs
__scs_entry_jumppad:
0x0: {  	(pc) =	sbr.rel $0x88, $3  }
0x1: {  	(tag) =	ssettag $0x0;
	lr =	simm.s32 $0x1  }
0x2: {  	[smem:$0x3F9F] =	sst lr;
	_ =	strace $0xD0000000  }
0x3: {  	_ = 	snop  }
0x4: {  	_ = 	snop  }
0x5: {  	_ = 	snop  }
0x6: {  	_ = 	snop  }
0x7: {  	_ = 	snop  }
__scs_overlays_trampoline_lowered:
0x8: {  	[smem:$0x3FAE] =	sst s0  }
0x9: {  	[smem:$0x3FAF] =	sst s1  }
0xa: {  	[smem:$0x3FB0] =	sst s2  }
0xb: {  	[smem:$0x3FB1] =	sst s3  }
0xc: {  	[smem:$0x3FB2] =	sst s4  }
0xd: {  	[smem:$0x3FB3] =	sst s5  }
0xe: {  	[smem:$0x3FB4] =	sst s6  }
0xf: {  	[smem:$0x3FB5] =	sst s7  }
0x10: {  	[smem:$0x3FB6] =	sst s8  }
0x11: {  	[smem:$0x3FB7] =	sst s9;
	s0 =	simm.s32 @!p0 $0x0  }
0x12: {  	s1 =	sld [smem:$0x3F9D];
	s0 =	simm.s32 @p0 $0x1  }
0x13: {  	[smem:$0x3FB8] =	sst s0;
	s0 =	simm.s32 @!p1 $0x0  }
0x14: {  	s2 =	sld [smem:$0x3F9C];
	s0 =	simm.s32 @p1 $0x1  }
0x15: {  	[smem:$0x3FB9] =	sst s0;
	s0 =	simm.s32 @!p2 $0x0  }
0x16: {  	s3 =	sld [smem:$0x3FDB];
	s0 =	simm.s32 @p2 $0x1  }
0x17: {  	s4 =	simm.s32 $0x1BF5;
	[smem:$0x3FBB] =	sst s0  }
0x18: {  	s0 =	sld [smem:$0x3F9E];
	_ =	swait.ge [sflag:s4], $0x0  }
0x19: {  	s7 =	sld [smem:$0x3F9F]  }
0x1a: {  	s8 =	sadd.s32 $0xFFFFE003, lr  }
0x1b: {  	s9 =	sadd.s32 $0xFFFFFEF7, lr;
	s5 =	simm.s32 $0xFFFFFFFF;
	p2 =	slt.u32 s8, $0xFFFFF086  }
0x1c: {  	p1 =	slt.u32 s9, $0xF7A;
	s5 =	simm.s32 @!p2 $0x0  }
0x1d: {  	s5 =	simm.s32 @p1 $0x1;
	p0 =	seq.s32 s7, s2  }
0x1e: {  	s7 =	smul.u32 @!p0 $0xF7A, s2;
	p2 =	seq.s32 @!p0 s5, $0x0  }
0x1f: {  	s9 =	smul.u32 $0xF7A, s1;
	s8 =	simm.s32 @!p0 $0x1BF5;
	p2 =	por !p2, p0  }
0x20: {  	[sflag:s8] =	ssyncset.s32 @!p0 $0xFFFFF086;
	s6 =	sadd.s32 @!p0 s3, s7;
	s7 =	simm.s32 @!p0 $0x108  }
0x21: {  	s3 =	sadd.s32 s3, s9;
	s6 =	sadd.s32 @!p0 $0x88, s6;
	s7 =	simm.s32 @p2 $0x1082  }
0x22: {  	[simem:s7], [sflag:s8] =	dma.local @!p0 [hbm:s6], $0xF7A  }
0x23: {  	s9 =	sor.u32 $0xD0000000, s2;
	s6 =	simm.s32 $0x108;
	_ =	swait.ge @!p0 [sflag:s8], $0x0  }
0x24: {  	s3 =	sadd.s32 $0x88, s3;
	s6 =	simm.s32 @!p1 $0x1082;
	[sflag:s4] =	ssyncset.s32 $0xFFFFF086  }
0x25: {  	[simem:s6], [sflag:s4] =	dma.local [hbm:s3], $0xF7A  }
0x26: {  	[smem:$0x3F9F] =	sst s1;
	(tag) =	ssettag s2;
	_ =	strace s9  }
0x27: {  	s1 =	sld [smem:$0x3FAF]  }
0x28: {  	s2 =	sld [smem:$0x3FB0]  }
0x29: {  	s4 =	sld [smem:$0x3FB2]  }
0x2a: {  	p0 =	seq.s32 s5, $0x0;
	s5 =	sld [smem:$0x3FB3]  }
0x2b: {  	s6 =	sld [smem:$0x3FB4]  }
0x2c: {  	s7 =	sld [smem:$0x3FB5]  }
0x2d: {  	s3 =	simm.s32 $0x108;
	s8 =	sld [smem:$0x3FB6]  }
0x2e: {  	s3 =	simm.s32 @!p0 $0x1082;
	s9 =	sld [smem:$0x3FB7]  }
0x2f: {  	lr =	sadd.s32 s0, s3;
	s0 =	sld [smem:$0x3FAE]  }
0x30: {  	s3 =	sld [smem:$0x3FB1]  }
0x31: {  	[smem:$0x3FBA] =	sst s10  }
0x32: {  	s10 =	sld [smem:$0x3FB8];
	_ =	sdelay $0x3  }
0x33: {  	p0 =	seq.s32 s10, $0x1;
	s10 =	sld [smem:$0x3FBA];
	_ =	sdelay $0x3  }
0x34: {  	[smem:$0x3FBA] =	sst s10  }
0x35: {  	s10 =	sld [smem:$0x3FB9];
	_ =	sdelay $0x3  }
0x36: {  	p1 =	seq.s32 s10, $0x1;
	s10 =	sld [smem:$0x3FBA];
	_ =	sdelay $0x3  }
0x37: {  	[smem:$0x3FBA] =	sst s10  }
0x38: {  	s10 =	sld [smem:$0x3FBB]  }
0x39: {  	_ = 	snop;
	(pc) =	sbr.ind lr, $3  }
0x3a: {  	_ = 	snop  }
0x3b: {  	_ = 	snop  }
0x3c: {  	p2 =	seq.s32 s10, $0x1;
	s10 =	sld [smem:$0x3FBA]  }
0x3d: {  	_ =	shalt  }
0x3e: {  	_ =	shalt  }
0x3f: {  	_ =	shalt  }
0x40: {  	_ =	shalt  }
0x41: {  	_ =	shalt  }
0x42: {  	_ =	shalt  }
0x43: {  	_ =	shalt  }
0x44: {  	_ =	shalt  }
0x45: {  	_ =	shalt  }
0x46: {  	_ =	shalt  }
0x47: {  	_ =	shalt  }
0x48: {  	_ =	shalt  }
0x49: {  	_ =	shalt  }
0x4a: {  	_ =	shalt  }
0x4b: {  	_ =	shalt  }
0x4c: {  	_ =	shalt  }
0x4d: {  	_ =	shalt  }
0x4e: {  	_ =	shalt  }
0x4f: {  	_ =	shalt  }
0x50: {  	_ =	shalt  }
0x51: {  	_ =	shalt  }
0x52: {  	_ =	shalt  }
0x53: {  	_ =	shalt  }
0x54: {  	_ =	shalt  }
0x55: {  	_ =	shalt  }
0x56: {  	_ =	shalt  }
0x57: {  	_ =	shalt  }
0x58: {  	_ =	shalt  }
0x59: {  	_ =	shalt  }
0x5a: {  	_ =	shalt  }
0x5b: {  	_ =	shalt  }
0x5c: {  	_ =	shalt  }
0x5d: {  	_ =	shalt  }
0x5e: {  	_ =	shalt  }
0x5f: {  	_ =	shalt  }
0x60: {  	_ =	shalt  }
0x61: {  	_ =	shalt  }
0x62: {  	_ =	shalt  }
0x63: {  	_ =	shalt  }
0x64: {  	_ =	shalt  }
0x65: {  	_ =	shalt  }
0x66: {  	_ =	shalt  }
0x67: {  	_ =	shalt  }
0x68: {  	_ =	shalt  }
0x69: {  	_ =	shalt  }
0x6a: {  	_ =	shalt  }
0x6b: {  	_ =	shalt  }
0x6c: {  	_ =	shalt  }
0x6d: {  	_ =	shalt  }
0x6e: {  	_ =	shalt  }
0x6f: {  	_ =	shalt  }
0x70: {  	_ =	shalt  }
0x71: {  	_ =	shalt  }
0x72: {  	_ =	shalt  }
0x73: {  	_ =	shalt  }
0x74: {  	_ =	shalt  }
0x75: {  	_ =	shalt  }
0x76: {  	_ =	shalt  }
0x77: {  	_ =	shalt  }
0x78: {  	_ =	shalt  }
0x79: {  	_ =	shalt  }
0x7a: {  	_ =	shalt  }
0x7b: {  	_ =	shalt  }
0x7c: {  	_ =	shalt  }
0x7d: {  	_ =	shalt  }
0x7e: {  	_ =	shalt  }
0x7f: {  	_ =	shalt  }
0x80: {  	_ =	shalt  }
0x81: {  	_ =	shalt  }
0x82: {  	_ =	shalt  }
0x83: {  	_ =	shalt  }
0x84: {  	_ =	shalt  }
0x85: {  	_ =	shalt  }
0x86: {  	_ =	shalt  }
0x87: {  	_ =	shalt  }
.Lfunc_end0:
.L_simem_size_0:
called_computation_lowered:
.L_overlay_start_0:
0x88: {  	s2 =	sld [smem:$0x3FD9]  }
0x89: {  	s3 =	sld [smem:$0x3FFE];
	_ =	sdelay $0x1  }
0x8a: {  	s1 =	srdreg.scid  }
0x8b: {  	s0 =	sand.u32 $0x1, s1  }
0x8c: {  	s18 =	sshll.u32 s0, $0xA;
	s2 =	sadd.s32 s3, s2  }
0x8d: {  	s2 =	sadd.s32 s2, s18  }
0x8e: {  	[smem:$0x3FC6] =	sst s2  }
0x8f: {  	_ = 	snop  }
0x90: {  	s2 =	sld [smem:$0x3FC9]  }
0x91: {  	s19 =	sld [smem:$0x3FC8]  }
0x92: {  	s4 =	sld [smem:$0x3FD0];
	(tm) =	ssettm $0x1  }
0x93: {  	s5 =	sld [smem:$0x3FFB];
	_ =	sdelay $0x3  }
0x94: {  	_ =	strace s5  }
0x95: {  	s5 =	sld [smem:$0x3FFC];
	_ =	sdelay $0x3  }
0x96: {  	_ =	strace s5  }
0x97: {  	s5 =	sld [smem:$0x3FFD];
	_ =	sdelay $0x3  }
0x98: {  	_ =	strace s5  }
0x99: {  	_ =	strace $0x8FFFFFFF  }
0x9a: {  	s20 =	sld [smem:$0x3FDB];
	_ =	sdelay $0x1  }
0x9b: {  	s6 =	simm.s32 $_scs_section_size  }
0x9c: {  	s7 =	simm.s32 $_size__tile_overlayer_lowered;
	s8 =	simm.s32 $_tile_overlayer_lowered  }
0x9d: {  	s23 =	simm.s32 $0x1BFF;
	s22 =	sshll.u32 s8, $0x1;
	s5 =	sadd.s32 s6, s20  }
0x9e: {  	s9 =	simm.s32 $0x0;
	s21 =	sshll.u32 s7, $0x1;
	s7 =	sadd.s32 s22, s5  }
0x9f: {  	[timem:s9], [sflag:s23] =	dma.local [hbm:s7], s21  }
0xa0: {  	_ =	swait.ge [sflag:s23], s21  }
0xa1: {  	s6 =	ssub.s32 $0x0, s21;
	[sflag:s23] =	ssyncset.done $0x0  }
0xa2: {  	[sflag:s23] =	ssyncadd.s32 s6;
	_ =	sdelay $0x1  }
0xa3: {  	s24 =	simm.s32 $0x1B8B  }
0xa4: {  	_ =	swait.ge [sflag:s24], $0x1  }
0xa5: {  	[sflag:s24] =	ssyncset.done $0x0  }
0xa6: {  	s25 =	simm.s32 $0x1B8E;
	[sflag:s24] =	ssyncadd.s32 $0xFFFFFFFF  }
0xa7: {  	s26 =	simm.s32 $execute0_lowered;
	[smem:$0x3FD2] =	sst s25  }
0xa8: {  	s6 =	sshll.u32 s26, $0x1;
	_ =	strace $0x80000046;
	[dreg:$0x1] =	wrdreg $0xFFFFFFFF  }
0xa9: {  	s28 =	simm.s32 $_size_execute0_lowered;
	s5 =	sadd.s32 s5, s6;
	[dreg:$0x0] =	wrdreg $0x0  }
0xaa: {  	s6 =	sshll.u32 s28, $0x1;
	[dreg:$0x2] =	wrdreg s5  }
0xab: {  	[dreg:$0x3] =	wrdreg s6  }
0xac: {  	[dreg:$0x4] =	wrdreg $0xC0  }
0xad: {  	_ =	task [dreg:s9], $0x5FFFF  }
0xae: {  	[dreg:$0x1] =	wrdreg $0xFFFFFFFF  }
0xaf: {  	[dreg:$0x0] =	wrdreg $0x60  }
0xb0: {  	[dreg:$0x2] =	wrdreg s19  }
0xb1: {  	[dreg:$0x3] =	wrdreg s2  }
0xb2: {  	[dreg:$0x4] =	wrdreg s4  }
0xb3: {  	[dreg:$0x5] =	wrdreg $0x9  }
0xb4: {  	_ =	task.clear_ibuf [dreg:s9], $0x6FFFF;
	_ =	strace $0x90000046  }
0xb5: {  	s29 =	simm.s32 $0x9;
	_ =	strace $0x80000048  }
0xb6: {  	_ =	swait.ge [sflag:s29], $0x1  }
0xb7: {  	[sflag:s29] =	ssyncadd.s32 $0xFFFFFFFF  }
0xb8: {  	_ =	strace $0x90000048  }
0xb9: {  	_ =	sfence  }
0xba: {  	s30 =	sld [smem:$0x0];
	_ =	sdelay $0x2  }
0xbb: {  	s31 =	sshll.u32 s1, $0xD;
	s1 =	sshrl.u32 s1, $0x2  }
0xbc: {  	s3 =	sand.u32 $0x4000, s31;
	s1 =	sadd.s32 s1, s30  }
0xbd: {  	s0 =	sor.u32 s3, s0;
	s1 =	sshll.u32 s1, $0x11  }
0xbe: {  	s0 =	sor.u32 s1, s0  }
0xbf: {  	s0 =	sadd.s32 $0x8F2B, s0  }
0xc0: {  	[sflag:s0] =	ssyncadd.remote.s32 $0x1  }
0xc1: {  	_ =	sfence.sel $0xFFFF  }
0xc2: {  	[dreg:$0x0] =	wrdreg $0xFFFFFFFF;
	(pc) =	sbr.abs _section_cstart, $3  }
0xc3: {  	[dreg:$0x1] =	wrdreg $0xFFFFFFFF  }
0xc4: {  	_ =	task.clear_ibuf [dreg:s9], $0x2FFFF;
	_ =	strace $0x9FFFFFFF  }
0xc5: {  	(tm) =	ssettm $0x7FFFFFFF  }
tec
execute0_lowered:
.L_overlay_start_1:
0x0: {  	(tag) =	ssettag $0x1  }
0x1: {  	v1 =	vimm.s32 $0x1380;
	vm0 =	vcmask $0x300  }
0x2: {  	s0 =	rddreg [dreg:$0x0];
	v2 =	vimm.s32 $0x3380;
	vm1 =	vcmask $0x704;
	vm15 =	vcmask $0xB08  }
0x3: {  	s1 =	rddreg [dreg:$0x1];
	vm4 =	vcmask $0xF0C;
	v1 =	vsel vm0, $0x0, v1;
	v2 =	vsel vm0, $0x2000, v2  }
0x4: {  	s2 =	rddreg [dreg:$0x2];
	vm5 =	vcmask $0x1310;
	v1 =	vsel vm1, $0x80, v1;
	v2 =	vsel vm1, $0x2080, v2  }
0x5: {  	s4 =	srdreg.scid;
	s7 =	simm.s32 $0x0;
	s3 =	stileid.u32;
	vm6 =	vcmask $0x1714;
	v1 =	vsel vm15, $0x100, v1;
	v2 =	vsel vm15, $0x2100, v2  }
0x6: {  	v0 =	vlaneseq.u32;
	s8 =	simm.s32 $0x400;
	s9 =	simm.s32 $0x7A1400;
	s10 =	simm.s32 $0x200;
	v1 =	vsel vm4, $0x180, v1;
	v2 =	vsel vm4, $0x2180, v2  }
0x7: {  	vm7 =	vcmask $0x1B18;
	s11 =	simm.s32 $0x1200;
	s12 =	simm.s32 $0x2200;
	s13 =	simm.s32 $0x3200;
	v1 =	vsel vm5, $0x200, v1;
	v2 =	vsel vm5, $0x2200, v2  }
0x8: {  	vm8 =	vcmask $0x1F1C;
	s14 =	simm.s32 $0x4200;
	s15 =	simm.s32 $0x5200;
	s16 =	simm.s32 $0x6200;
	v1 =	vsel vm6, $0x280, v1;
	v2 =	vsel vm6, $0x2280, v2  }
0x9: {  	vm9 =	vcmask $0x2320;
	s17 =	simm.s32 $0x7200;
	s18 =	simm.s32 $0x8200;
	s19 =	simm.s32 $0x9200;
	v1 =	vsel vm7, $0x300, v1;
	v2 =	vsel vm7, $0x2300, v2  }
0xa: {  	vm10 =	vcmask $0x2724;
	s20 =	simm.s32 $0xA200;
	s21 =	simm.s32 $0xB200;
	s22 =	simm.s32 $0xC200;
	v1 =	vsel vm8, $0x380, v1;
	v2 =	vsel vm8, $0x2380, v2  }
0xb: {  	vm11 =	vcmask $0x2B28;
	s23 =	simm.s32 $0xD200;
	s24 =	simm.s32 $0xE200;
	s25 =	simm.s32 $0xF200;
	v1 =	vsel vm9, $0x1000, v1;
	v2 =	vsel vm9, $0x3000, v2  }
0xc: {  	vm12 =	vcmask $0x2F2C;
	s26 =	simm.s32 $0x1;
	s28 =	simm.s32 $0x10200;
	s30 =	simm.s32 $0x20000;
	v1 =	vsel vm10, $0x1080, v1;
	v2 =	vsel vm10, $0x3080, v2  }
0xd: {  	vm13 =	vcmask $0x3330;
	s31 =	simm.s32 $0x0;
	s4 =	sand.u32 $0x1, s4;
	s6 =	sshll.u32 s3, $0xA;
	v1 =	vsel vm11, $0x1100, v1;
	v2 =	vsel vm11, $0x3100, v2  }
0xe: {  	vm14 =	vcmask $0x3734;
	[smem:$0x7FF] =	sst s7;
	s5 =	ssub.s32 $0x2, s4;
	s4 =	sshll.u32 s4, $0x9;
	v1 =	vsel vm12, $0x1180, v1;
	v2 =	vsel vm12, $0x3180, v2  }
0xf: {  	v0 =	vmul.u32 $0x80, v0;
	_ =	strace $0x80000047;
	s29 =	sshrl.u32 s5, $0x1;
	s6 =	sor.u32 s4, s6;
	v1 =	vsel vm13, $0x1200, v1;
	v2 =	vsel vm13, $0x3200, v2  }
0x10: {  	vm15 =	vcmask $0x3B38;
	s7 =	ssub.s32 s5, s29;
	s4 =	sshrl.u32 s6, $0x3;
	s5 =	sadd.s32 s2, s6;
	v1 =	vsel vm14, $0x1280, v1;
	v3 =	vsel vm14, $0x3280, v2  }
0x11: {  	s4 =	sadd.s32 s1, s4;
	s6 =	smax.u32 s7, $0x1;
	s7 =	simm.s32 $0x2;
	v2 =	vor.u32 $0x800, v0;
	v1 =	vsel vm15, $0x1300, v1;
	v3 =	vsel vm15, $0x3300, v3  }
.LBB2_1:
0x12: {  	s1 =	simm.s32 $0x0  }
0x13: {  	[tilespmem:s1], [sflag:$0x2] =	stream.linear.gather [hbm4b:s4+s1], $0x200, $0x38;
	[tilespmem:$0x14200] =	vst v63  }
0x14: {  	_ =	swait.ge [sflag:s7], $0x200  }
0x15: {  	[sflag:s7] =	ssyncset.done $0x0  }
0x16: {  	s2 =	simm.s32 $0x0;
	s1 =	simm.s32 $0xF;
	[sflag:s7] =	ssyncadd.s32 $0xFFFFFE00  }
.LBB2_2:
0x17: {  	v4 =	vld [tilespmem:s2+$0x0];
	_ =	sdelay $0x4  }
0x18: {  	v5 =	vshrl.u32 v4, $0x7  }
0x19: {  	v5 =	vshll.u32 v5, $0x7  }
0x1a: {  	(v2sf) =	vpush v5, $0x0;
	_ =	sdelay $0x1  }
0x1b: {  	(v2sf) =	vpush v5, $0x1;
	_ =	sdelay $0x5  }
0x1c: {  	(v2sf) =	vpush v5, $0x2;
	_ =	sdelay $0x1  }
0x1d: {  	(v2sf) =	vpush v5, $0x3;
	_ =	sdelay $0x4  }
0x1e: {  	s3 =	spop (v2sf);
	(v2sf) =	vpush v5, $0x4;
	_ =	sdelay $0x1  }
0x1f: {  	s29 =	spop (v2sf);
	(v2sf) =	vpush v5, $0x5;
	_ =	sdelay $0x1  }
0x20: {  	s3 =	sand.u32 $0x1FFFFF80, s3  }
0x21: {  	s3 =	sadd.s32 s0, s3  }
0x22: {  	[tilespmem:s10], [sflag:$0x1] =	stream.strided.gather [hbm4b:s3+s8], $0x1000, s9, s8, $0x38;
	[tilespmem:$0x14200] =	vst v63  }
0x23: {  	(v2sf) =	vpush v5, $0x6;
	s3 =	sand.u32 $0x1FFFFF80, s29  }
0x24: {  	s29 =	spop (v2sf);
	s3 =	sadd.s32 s0, s3  }
0x25: {  	[tilespmem:s11], [sflag:$0x1] =	stream.strided.gather [hbm4b:s3+s8], $0x1000, s9, s8, $0x38;
	[tilespmem:$0x14200] =	vst v63  }
0x26: {  	s3 =	sand.u32 $0x1FFFFF80, s29;
	s29 =	spop (v2sf);
	(v2sf) =	vpush v5, $0x7;
	_ =	sdelay $0x1  }
0x27: {  	s3 =	sadd.s32 s0, s3  }
0x28: {  	[tilespmem:s12], [sflag:$0x1] =	stream.strided.gather [hbm4b:s3+s8], $0x1000, s9, s8, $0x38;
	[tilespmem:$0x14200] =	vst v63  }
0x29: {  	s3 =	sand.u32 $0x1FFFFF80, s29  }
0x2a: {  	s3 =	sadd.s32 s0, s3;
	s29 =	spop (v2sf);
	(v2sf) =	vpush v5, $0x8  }
0x2b: {  	[tilespmem:s13], [sflag:$0x1] =	stream.strided.gather [hbm4b:s3+s8], $0x1000, s9, s8, $0x38;
	[tilespmem:$0x14200] =	vst v63  }
0x2c: {  	s3 =	sand.u32 $0x1FFFFF80, s29;
	s29 =	spop (v2sf);
	(v2sf) =	vpush v5, $0x9;
	_ =	sdelay $0x1  }
0x2d: {  	s3 =	sadd.s32 s0, s3  }
0x2e: {  	(v2sf) =	vpush v5, $0xA;
	[tilespmem:s14], [sflag:$0x1] =	stream.strided.gather [hbm4b:s3+s8], $0x1000, s9, s8, $0x38;
	[tilespmem:$0x14200] =	vst v63  }
0x2f: {  	s3 =	sand.u32 $0x1FFFFF80, s29  }
0x30: {  	s29 =	spop (v2sf);
	s3 =	sadd.s32 s0, s3  }
0x31: {  	(v2sf) =	vpush v5, $0xB;
	[tilespmem:s15], [sflag:$0x1] =	stream.strided.gather [hbm4b:s3+s8], $0x1000, s9, s8, $0x38;
	[tilespmem:$0x14200] =	vst v63  }
0x32: {  	s3 =	sand.u32 $0x1FFFFF80, s29  }
0x33: {  	s29 =	spop (v2sf);
	s3 =	sadd.s32 s0, s3  }
0x34: {  	(v2sf) =	vpush v5, $0xC;
	[tilespmem:s16], [sflag:$0x1] =	stream.strided.gather [hbm4b:s3+s8], $0x1000, s9, s8, $0x38;
	[tilespmem:$0x14200] =	vst v63  }
0x35: {  	s3 =	sand.u32 $0x1FFFFF80, s29  }
0x36: {  	s3 =	sadd.s32 s0, s3  }
0x37: {  	[tilespmem:s17], [sflag:$0x1] =	stream.strided.gather [hbm4b:s3+s8], $0x1000, s9, s8, $0x38;
	[tilespmem:$0x14200] =	vst v63  }
0x38: {  	s29 =	spop (v2sf)  }
0x39: {  	(v2sf) =	vpush v5, $0xD;
	s3 =	sand.u32 $0x1FFFFF80, s29  }
0x3a: {  	s29 =	spop (v2sf);
	(v2sf) =	vpush v5, $0xE;
	s3 =	sadd.s32 s0, s3  }
0x3b: {  	[tilespmem:s18], [sflag:$0x1] =	stream.strided.gather [hbm4b:s3+s8], $0x1000, s9, s8, $0x38;
	[tilespmem:$0x14200] =	vst v63  }
0x3c: {  	s3 =	sand.u32 $0x1FFFFF80, s29  }
0x3d: {  	s29 =	spop (v2sf);
	(v2sf) =	vpush v5, $0xF;
	s3 =	sadd.s32 s0, s3  }
0x3e: {  	[tilespmem:s19], [sflag:$0x1] =	stream.strided.gather [hbm4b:s3+s8], $0x1000, s9, s8, $0x38;
	[tilespmem:$0x14200] =	vst v63  }
0x3f: {  	s3 =	sand.u32 $0x1FFFFF80, s29  }
0x40: {  	s29 =	spop (v2sf);
	s3 =	sadd.s32 s0, s3  }
0x41: {  	[tilespmem:s20], [sflag:$0x1] =	stream.strided.gather [hbm4b:s3+s8], $0x1000, s9, s8, $0x38;
	[tilespmem:$0x14200] =	vst v63  }
0x42: {  	s3 =	sand.u32 $0x1FFFFF80, s29  }
0x43: {  	s29 =	spop (v2sf);
	s3 =	sadd.s32 s0, s3  }
0x44: {  	[tilespmem:s21], [sflag:$0x1] =	stream.strided.gather [hbm4b:s3+s8], $0x1000, s9, s8, $0x38;
	[tilespmem:$0x14200] =	vst v63  }
0x45: {  	s3 =	sand.u32 $0x1FFFFF80, s29  }
0x46: {  	s3 =	sadd.s32 s0, s3  }
0x47: {  	[tilespmem:s22], [sflag:$0x1] =	stream.strided.gather [hbm4b:s3+s8], $0x1000, s9, s8, $0x38;
	[tilespmem:$0x14200] =	vst v63  }
0x48: {  	s29 =	spop (v2sf)  }
0x49: {  	s3 =	sand.u32 $0x1FFFFF80, s29;
	s29 =	spop (v2sf)  }
0x4a: {  	s3 =	sadd.s32 s0, s3;
	s29 =	sand.u32 $0x1FFFFF80, s29  }
0x4b: {  	[tilespmem:s23], [sflag:$0x1] =	stream.strided.gather [hbm4b:s3+s8], $0x1000, s9, s8, $0x38;
	[tilespmem:$0x14200] =	vst v63  }
0x4c: {  	v4 =	vand.u32 $0x7F, v4;
	s3 =	sadd.s32 s0, s29;
	s29 =	spop (v2sf)  }
0x4d: {  	v5 =	vbroadcast v4, $0x0;
	[tilespmem:s24], [sflag:$0x1] =	stream.strided.gather [hbm4b:s3+s8], $0x1000, s9, s8, $0x38;
	[tilespmem:$0x14200] =	vst v63  }
0x4e: {  	s3 =	sand.u32 $0x1FFFFF80, s29  }
0x4f: {  	v6 =	vor.u32 v0, v5;
	s29 =	sadd.s32 $0xFFFFFFF1, s1;
	s3 =	sadd.s32 s0, s3  }
0x50: {  	v7 =	vmov s29;
	[tilespmem:s25], [sflag:$0x1] =	stream.strided.gather [hbm4b:s3+s8], $0x1000, s9, s8, $0x38;
	[tilespmem:$0x14200] =	vst v63  }
0x51: {  	v8 =	vshll.u32 v7, $0x3;
	_ =	swait.ge [sflag:s26], $0x1000  }
0x52: {  	v7 =	vand.u32 $0x70, v7;
	v8 =	vand.u32 $0xC00, v8;
	[sflag:s26] =	ssyncset.done $0x0  }
0x53: {  	v7 =	vor.u32 v7, v8;
	[sflag:s26] =	ssyncadd.s32 $0xFFFFF000  }
0x54: {  	v8 =	vor.u32 v1, v7;
	v6 =	vld.idx.msk [tilespmem:v6+s10+$0x0], $0xffff  }
0x55: {  	v5 =	vor.u32 v2, v5;
	_ =	sdelay $0x3  }
0x56: {  	[tilespmem:v8+s28+$0x0] =	vst.idx.msk $0xffff, v6  }
0x57: {  	v41 =	vor.u32 v3, v7;
	v5 =	vld.idx.msk [tilespmem:v5+s10+$0x0], $0xffff;
	_ =	sdelay $0x1  }
0x58: {  	v42 =	vbroadcast v4, $0x1;
	_ =	sdelay $0x1  }
0x59: {  	v43 =	vor.u32 v0, v42;
	s29 =	sadd.s32 $0xFFFFFFF2, s1  }
0x5a: {  	[tilespmem:v41+s28+$0x0] =	vst.idx.msk $0xffff, v5;
	v5 =	vmov s29  }
0x5b: {  	_ =	swait.ge [sflag:s26], $0x1000;
	v44 =	vshll.u32 v5, $0x3  }
0x5c: {  	v5 =	vand.u32 $0x71, v5;
	[sflag:s26] =	ssyncset.done $0x0;
	v6 =	vand.u32 $0xC00, v44  }
0x5d: {  	[sflag:s26] =	ssyncadd.s32 $0xFFFFF000;
	v5 =	vor.u32 v5, v6  }
0x5e: {  	v45 =	vld.idx.msk [tilespmem:v43+s11+$0x0], $0xffff;
	v46 =	vor.u32 v1, v5  }
0x5f: {  	v7 =	vor.u32 v2, v42;
	_ =	sdelay $0x3  }
0x60: {  	[tilespmem:v46+s28+$0x0] =	vst.idx.msk $0xffff, v45  }
0x61: {  	v5 =	vor.u32 v3, v5;
	v6 =	vld.idx.msk [tilespmem:v7+s11+$0x0], $0xffff;
	_ =	sdelay $0x1  }
0x62: {  	v47 =	vbroadcast v4, $0x2;
	_ =	sdelay $0x1  }
0x63: {  	v48 =	vor.u32 v0, v47;
	s29 =	sadd.s32 $0xFFFFFFF3, s1  }
0x64: {  	[tilespmem:v5+s28+$0x0] =	vst.idx.msk $0xffff, v6;
	v5 =	vmov s29  }
0x65: {  	_ =	swait.ge [sflag:s26], $0x1000;
	v49 =	vshll.u32 v5, $0x3  }
0x66: {  	v5 =	vand.u32 $0x72, v5;
	[sflag:s26] =	ssyncset.done $0x0;
	v6 =	vand.u32 $0xC00, v49  }
0x67: {  	[sflag:s26] =	ssyncadd.s32 $0xFFFFF000;
	v5 =	vor.u32 v5, v6  }
0x68: {  	v50 =	vld.idx.msk [tilespmem:v48+s12+$0x0], $0xffff;
	v51 =	vor.u32 v1, v5  }
0x69: {  	v7 =	vor.u32 v2, v47;
	_ =	sdelay $0x3  }
0x6a: {  	[tilespmem:v51+s28+$0x0] =	vst.idx.msk $0xffff, v50  }
0x6b: {  	v5 =	vor.u32 v3, v5;
	v6 =	vld.idx.msk [tilespmem:v7+s12+$0x0], $0xffff;
	_ =	sdelay $0x1  }
0x6c: {  	v52 =	vbroadcast v4, $0x3;
	_ =	sdelay $0x1  }
0x6d: {  	v53 =	vor.u32 v0, v52;
	s29 =	sadd.s32 $0xFFFFFFF4, s1  }
0x6e: {  	[tilespmem:v5+s28+$0x0] =	vst.idx.msk $0xffff, v6;
	v5 =	vmov s29  }
0x6f: {  	_ =	swait.ge [sflag:s26], $0x1000;
	v54 =	vshll.u32 v5, $0x3  }
0x70: {  	v5 =	vand.u32 $0x73, v5;
	[sflag:s26] =	ssyncset.done $0x0;
	v6 =	vand.u32 $0xC00, v54  }
0x71: {  	[sflag:s26] =	ssyncadd.s32 $0xFFFFF000;
	v5 =	vor.u32 v5, v6  }
0x72: {  	v55 =	vld.idx.msk [tilespmem:v53+s13+$0x0], $0xffff;
	v56 =	vor.u32 v1, v5  }
0x73: {  	v7 =	vor.u32 v2, v52;
	_ =	sdelay $0x3  }
0x74: {  	[tilespmem:v56+s28+$0x0] =	vst.idx.msk $0xffff, v55  }
0x75: {  	v5 =	vor.u32 v3, v5;
	v6 =	vld.idx.msk [tilespmem:v7+s13+$0x0], $0xffff;
	_ =	sdelay $0x1  }
0x76: {  	v57 =	vbroadcast v4, $0x4;
	_ =	sdelay $0x1  }
0x77: {  	v58 =	vor.u32 v0, v57;
	s29 =	sadd.s32 $0xFFFFFFF5, s1  }
0x78: {  	[tilespmem:v5+s28+$0x0] =	vst.idx.msk $0xffff, v6;
	v5 =	vmov s29  }
0x79: {  	_ =	swait.ge [sflag:s26], $0x1000;
	v59 =	vshll.u32 v5, $0x3  }
0x7a: {  	v5 =	vand.u32 $0x74, v5;
	[sflag:s26] =	ssyncset.done $0x0;
	v6 =	vand.u32 $0xC00, v59  }
0x7b: {  	[sflag:s26] =	ssyncadd.s32 $0xFFFFF000;
	v5 =	vor.u32 v5, v6  }
0x7c: {  	v60 =	vld.idx.msk [tilespmem:v58+s14+$0x0], $0xffff;
	v61 =	vor.u32 v1, v5  }
0x7d: {  	v7 =	vor.u32 v2, v57;
	_ =	sdelay $0x3  }
0x7e: {  	[tilespmem:v61+s28+$0x0] =	vst.idx.msk $0xffff, v60  }
0x7f: {  	v5 =	vor.u32 v3, v5;
	v6 =	vld.idx.msk [tilespmem:v7+s14+$0x0], $0xffff;
	_ =	sdelay $0x1  }
0x80: {  	v62 =	vbroadcast v4, $0x5;
	_ =	sdelay $0x1  }
0x81: {  	v63 =	vor.u32 v0, v62;
	s29 =	sadd.s32 $0xFFFFFFF6, s1  }
0x82: {  	[tilespmem:v5+s28+$0x0] =	vst.idx.msk $0xffff, v6;
	v5 =	vmov s29  }
0x83: {  	_ =	swait.ge [sflag:s26], $0x1000;
	v12 =	vshll.u32 v5, $0x3  }
0x84: {  	v5 =	vand.u32 $0x75, v5;
	[sflag:s26] =	ssyncset.done $0x0;
	v6 =	vand.u32 $0xC00, v12  }
0x85: {  	[sflag:s26] =	ssyncadd.s32 $0xFFFFF000;
	v5 =	vor.u32 v5, v6  }
0x86: {  	v13 =	vld.idx.msk [tilespmem:v63+s15+$0x0], $0xffff;
	v14 =	vor.u32 v1, v5  }
0x87: {  	v7 =	vor.u32 v2, v62;
	_ =	sdelay $0x3  }
0x88: {  	[tilespmem:v14+s28+$0x0] =	vst.idx.msk $0xffff, v13  }
0x89: {  	v5 =	vor.u32 v3, v5;
	v6 =	vld.idx.msk [tilespmem:v7+s15+$0x0], $0xffff;
	_ =	sdelay $0x1  }
0x8a: {  	v15 =	vbroadcast v4, $0x6;
	_ =	sdelay $0x1  }
0x8b: {  	v16 =	vor.u32 v0, v15;
	s29 =	sadd.s32 $0xFFFFFFF7, s1  }
0x8c: {  	[tilespmem:v5+s28+$0x0] =	vst.idx.msk $0xffff, v6;
	v5 =	vmov s29  }
0x8d: {  	_ =	swait.ge [sflag:s26], $0x1000;
	v17 =	vshll.u32 v5, $0x3  }
0x8e: {  	v5 =	vand.u32 $0x76, v5;
	[sflag:s26] =	ssyncset.done $0x0;
	v6 =	vand.u32 $0xC00, v17  }
0x8f: {  	[sflag:s26] =	ssyncadd.s32 $0xFFFFF000;
	v5 =	vor.u32 v5, v6  }
0x90: {  	v18 =	vld.idx.msk [tilespmem:v16+s16+$0x0], $0xffff;
	v19 =	vor.u32 v1, v5  }
0x91: {  	v7 =	vor.u32 v2, v15;
	_ =	sdelay $0x3  }
0x92: {  	[tilespmem:v19+s28+$0x0] =	vst.idx.msk $0xffff, v18  }
0x93: {  	v5 =	vor.u32 v3, v5;
	v6 =	vld.idx.msk [tilespmem:v7+s16+$0x0], $0xffff;
	_ =	sdelay $0x1  }
0x94: {  	v20 =	vbroadcast v4, $0x7;
	_ =	sdelay $0x1  }
0x95: {  	v21 =	vor.u32 v0, v20;
	s29 =	sadd.s32 $0xFFFFFFF8, s1  }
0x96: {  	[tilespmem:v5+s28+$0x0] =	vst.idx.msk $0xffff, v6;
	v5 =	vmov s29  }
0x97: {  	_ =	swait.ge [sflag:s26], $0x1000;
	v22 =	vshll.u32 v5, $0x3  }
0x98: {  	v5 =	vand.u32 $0x77, v5;
	[sflag:s26] =	ssyncset.done $0x0;
	v6 =	vand.u32 $0xC00, v22  }
0x99: {  	[sflag:s26] =	ssyncadd.s32 $0xFFFFF000;
	v5 =	vor.u32 v5, v6  }
0x9a: {  	v23 =	vld.idx.msk [tilespmem:v21+s17+$0x0], $0xffff;
	v24 =	vor.u32 v1, v5  }
0x9b: {  	v7 =	vor.u32 v2, v20;
	_ =	sdelay $0x3  }
0x9c: {  	[tilespmem:v24+s28+$0x0] =	vst.idx.msk $0xffff, v23  }
0x9d: {  	v5 =	vor.u32 v3, v5;
	v6 =	vld.idx.msk [tilespmem:v7+s17+$0x0], $0xffff;
	_ =	sdelay $0x1  }
0x9e: {  	v25 =	vbroadcast v4, $0x8;
	_ =	sdelay $0x1  }
0x9f: {  	v26 =	vor.u32 v0, v25;
	s29 =	sadd.s32 $0xFFFFFFF9, s1  }
0xa0: {  	[tilespmem:v5+s28+$0x0] =	vst.idx.msk $0xffff, v6;
	v5 =	vmov s29  }
0xa1: {  	_ =	swait.ge [sflag:s26], $0x1000;
	v27 =	vshll.u32 v5, $0x3  }
0xa2: {  	v5 =	vand.u32 $0x78, v5;
	[sflag:s26] =	ssyncset.done $0x0;
	v6 =	vand.u32 $0xC00, v27  }
0xa3: {  	[sflag:s26] =	ssyncadd.s32 $0xFFFFF000;
	v5 =	vor.u32 v5, v6  }
0xa4: {  	v28 =	vld.idx.msk [tilespmem:v26+s18+$0x0], $0xffff;
	v29 =	vor.u32 v1, v5  }
0xa5: {  	v7 =	vor.u32 v2, v25;
	_ =	sdelay $0x3  }
0xa6: {  	[tilespmem:v29+s28+$0x0] =	vst.idx.msk $0xffff, v28  }
0xa7: {  	v5 =	vor.u32 v3, v5;
	v6 =	vld.idx.msk [tilespmem:v7+s18+$0x0], $0xffff;
	_ =	sdelay $0x1  }
0xa8: {  	v30 =	vbroadcast v4, $0x9;
	_ =	sdelay $0x1  }
0xa9: {  	v31 =	vor.u32 v0, v30;
	s29 =	sadd.s32 $0xFFFFFFFA, s1  }
0xaa: {  	[tilespmem:v5+s28+$0x0] =	vst.idx.msk $0xffff, v6;
	v5 =	vmov s29  }
0xab: {  	_ =	swait.ge [sflag:s26], $0x1000;
	v32 =	vshll.u32 v5, $0x3  }
0xac: {  	v5 =	vand.u32 $0x79, v5;
	[sflag:s26] =	ssyncset.done $0x0;
	v6 =	vand.u32 $0xC00, v32  }
0xad: {  	[sflag:s26] =	ssyncadd.s32 $0xFFFFF000;
	v5 =	vor.u32 v5, v6  }
0xae: {  	v33 =	vld.idx.msk [tilespmem:v31+s19+$0x0], $0xffff;
	v34 =	vor.u32 v1, v5  }
0xaf: {  	v7 =	vor.u32 v2, v30;
	_ =	sdelay $0x3  }
0xb0: {  	[tilespmem:v34+s28+$0x0] =	vst.idx.msk $0xffff, v33  }
0xb1: {  	v5 =	vor.u32 v3, v5;
	v6 =	vld.idx.msk [tilespmem:v7+s19+$0x0], $0xffff;
	_ =	sdelay $0x1  }
0xb2: {  	v35 =	vbroadcast v4, $0xA;
	_ =	sdelay $0x1  }
0xb3: {  	v36 =	vor.u32 v0, v35;
	s29 =	sadd.s32 $0xFFFFFFFB, s1  }
0xb4: {  	[tilespmem:v5+s28+$0x0] =	vst.idx.msk $0xffff, v6;
	v5 =	vmov s29  }
0xb5: {  	_ =	swait.ge [sflag:s26], $0x1000;
	v37 =	vshll.u32 v5, $0x3  }
0xb6: {  	v5 =	vand.u32 $0x7A, v5;
	[sflag:s26] =	ssyncset.done $0x0;
	v6 =	vand.u32 $0xC00, v37  }
0xb7: {  	[sflag:s26] =	ssyncadd.s32 $0xFFFFF000;
	v5 =	vor.u32 v5, v6  }
0xb8: {  	v38 =	vld.idx.msk [tilespmem:v36+s20+$0x0], $0xffff;
	v39 =	vor.u32 v1, v5  }
0xb9: {  	v7 =	vor.u32 v2, v35;
	_ =	sdelay $0x3  }
0xba: {  	[tilespmem:v39+s28+$0x0] =	vst.idx.msk $0xffff, v38  }
0xbb: {  	v5 =	vor.u32 v3, v5;
	v6 =	vld.idx.msk [tilespmem:v7+s20+$0x0], $0xffff;
	_ =	sdelay $0x1  }
0xbc: {  	v40 =	vbroadcast v4, $0xB;
	_ =	sdelay $0x1  }
0xbd: {  	v41 =	vor.u32 v0, v40;
	s29 =	sadd.s32 $0xFFFFFFFC, s1  }
0xbe: {  	[tilespmem:v5+s28+$0x0] =	vst.idx.msk $0xffff, v6;
	v5 =	vmov s29  }
0xbf: {  	_ =	swait.ge [sflag:s26], $0x1000;
	v42 =	vshll.u32 v5, $0x3  }
0xc0: {  	v5 =	vand.u32 $0x7B, v5;
	[sflag:s26] =	ssyncset.done $0x0;
	v6 =	vand.u32 $0xC00, v42  }
0xc1: {  	[sflag:s26] =	ssyncadd.s32 $0xFFFFF000;
	v5 =	vor.u32 v5, v6  }
0xc2: {  	v43 =	vld.idx.msk [tilespmem:v41+s21+$0x0], $0xffff;
	v44 =	vor.u32 v1, v5  }
0xc3: {  	v7 =	vor.u32 v2, v40;
	_ =	sdelay $0x3  }
0xc4: {  	[tilespmem:v44+s28+$0x0] =	vst.idx.msk $0xffff, v43  }
0xc5: {  	v5 =	vor.u32 v3, v5;
	v6 =	vld.idx.msk [tilespmem:v7+s21+$0x0], $0xffff;
	_ =	sdelay $0x1  }
0xc6: {  	v45 =	vbroadcast v4, $0xC;
	_ =	sdelay $0x1  }
0xc7: {  	v46 =	vor.u32 v0, v45;
	s29 =	sadd.s32 $0xFFFFFFFD, s1  }
0xc8: {  	[tilespmem:v5+s28+$0x0] =	vst.idx.msk $0xffff, v6;
	v5 =	vmov s29  }
0xc9: {  	_ =	swait.ge [sflag:s26], $0x1000;
	v47 =	vshll.u32 v5, $0x3  }
0xca: {  	v5 =	vand.u32 $0x7C, v5;
	[sflag:s26] =	ssyncset.done $0x0;
	v6 =	vand.u32 $0xC00, v47  }
0xcb: {  	[sflag:s26] =	ssyncadd.s32 $0xFFFFF000;
	v5 =	vor.u32 v5, v6  }
0xcc: {  	v48 =	vld.idx.msk [tilespmem:v46+s22+$0x0], $0xffff;
	v49 =	vor.u32 v1, v5  }
0xcd: {  	v7 =	vor.u32 v2, v45;
	_ =	sdelay $0x3  }
0xce: {  	[tilespmem:v49+s28+$0x0] =	vst.idx.msk $0xffff, v48  }
0xcf: {  	v5 =	vor.u32 v3, v5;
	v6 =	vld.idx.msk [tilespmem:v7+s22+$0x0], $0xffff;
	_ =	sdelay $0x1  }
0xd0: {  	v50 =	vbroadcast v4, $0xD;
	_ =	sdelay $0x1  }
0xd1: {  	v51 =	vor.u32 v0, v50;
	s29 =	sadd.s32 $0xFFFFFFFE, s1  }
0xd2: {  	[tilespmem:v5+s28+$0x0] =	vst.idx.msk $0xffff, v6;
	v5 =	vmov s29  }
0xd3: {  	_ =	swait.ge [sflag:s26], $0x1000;
	v52 =	vshll.u32 v5, $0x3  }
0xd4: {  	v5 =	vand.u32 $0x7D, v5;
	[sflag:s26] =	ssyncset.done $0x0;
	v6 =	vand.u32 $0xC00, v52  }
0xd5: {  	[sflag:s26] =	ssyncadd.s32 $0xFFFFF000;
	v5 =	vor.u32 v5, v6  }
0xd6: {  	v53 =	vld.idx.msk [tilespmem:v51+s23+$0x0], $0xffff;
	v54 =	vor.u32 v1, v5  }
0xd7: {  	v7 =	vor.u32 v2, v50;
	_ =	sdelay $0x3  }
0xd8: {  	[tilespmem:v54+s28+$0x0] =	vst.idx.msk $0xffff, v53  }
0xd9: {  	v5 =	vor.u32 v3, v5;
	v6 =	vld.idx.msk [tilespmem:v7+s23+$0x0], $0xffff;
	_ =	sdelay $0x1  }
0xda: {  	v55 =	vbroadcast v4, $0xE;
	_ =	sdelay $0x1  }
0xdb: {  	v56 =	vor.u32 v0, v55;
	s29 =	sadd.s32 $0xFFFFFFFF, s1  }
0xdc: {  	[tilespmem:v5+s28+$0x0] =	vst.idx.msk $0xffff, v6;
	v5 =	vmov s29  }
0xdd: {  	_ =	swait.ge [sflag:s26], $0x1000;
	v57 =	vshll.u32 v5, $0x3  }
0xde: {  	v5 =	vand.u32 $0x7E, v5;
	[sflag:s26] =	ssyncset.done $0x0;
	v6 =	vand.u32 $0xC00, v57  }
0xdf: {  	[sflag:s26] =	ssyncadd.s32 $0xFFFFF000;
	v5 =	vor.u32 v5, v6  }
0xe0: {  	v58 =	vld.idx.msk [tilespmem:v56+s24+$0x0], $0xffff;
	v59 =	vor.u32 v1, v5  }
0xe1: {  	v7 =	vor.u32 v2, v55;
	_ =	sdelay $0x3  }
0xe2: {  	[tilespmem:v59+s28+$0x0] =	vst.idx.msk $0xffff, v58  }
0xe3: {  	v5 =	vor.u32 v3, v5;
	v6 =	vld.idx.msk [tilespmem:v7+s24+$0x0], $0xffff;
	_ =	sdelay $0x1  }
0xe4: {  	v4 =	vbroadcast v4, $0xF;
	_ =	sdelay $0x1  }
0xe5: {  	v60 =	vor.u32 v0, v4  }
0xe6: {  	[tilespmem:v5+s28+$0x0] =	vst.idx.msk $0xffff, v6;
	v5 =	vmov s1  }
0xe7: {  	_ =	swait.ge [sflag:s26], $0x1000;
	v61 =	vshll.u32 v5, $0x3  }
0xe8: {  	v5 =	vand.u32 $0x7F, v5;
	[sflag:s26] =	ssyncset.done $0x0;
	v6 =	vand.u32 $0xC00, v61  }
0xe9: {  	[sflag:s26] =	ssyncadd.s32 $0xFFFFF000;
	v5 =	vor.u32 v5, v6  }
0xea: {  	v62 =	vld.idx.msk [tilespmem:v60+s25+$0x0], $0xffff;
	v63 =	vor.u32 v1, v5  }
0xeb: {  	v4 =	vor.u32 v2, v4;
	_ =	sdelay $0x3  }
0xec: {  	[tilespmem:v63+s28+$0x0] =	vst.idx.msk $0xffff, v62  }
0xed: {  	p0 =	sne.s32 s1, $0x1FF;
	v5 =	vor.u32 v3, v5;
	v4 =	vld.idx.msk [tilespmem:v4+s25+$0x0], $0xffff  }
.Ltmp0:
0xee: {  	_ = 	snop;
	(pc) =	sbr.rel @p0 .LBB2_2-.Ltmp0, $2  }
0xef: {  	_ =	sdelay $0x2  }
0xf0: {  	s2 =	sadd.s32 $0x10, s2;
	s1 =	sadd.s32 $0x10, s1;
	[tilespmem:v5+s28+$0x0] =	vst.idx.msk $0xffff, v4  }
0xf1: {  	s31 =	sadd.s32 $0x1, s31  }
0xf2: {  	p0 =	sne.s32 s31, s6  }
.Ltmp1:
0xf3: {  	s1 =	simm.s32 $0x1000;
	(pc) =	sbr.rel @p0 .LBB2_1-.Ltmp1, $4  }
0xf4: {  	[hbm4b:s5+s1] =	stream.strided.scatter [tilespmem:s28], [sflag:$0x2], $0x4000, s30, s1, $0x38;
	[tilespmem:$0x14200] =	vst v63  }
0xf5: {  	_ =	swait.ge [sflag:s7], $0x4000  }
0xf6: {  	[sflag:s7] =	ssyncset.done $0x0  }
0xf7: {  	[sflag:s7] =	ssyncadd.s32 $0xFFFFC000  }
0xf8: {  	_ =	sfence.sel $0x180000  }
0xf9: {  	[bflag:$0x0] =	sbarrier.arrive $0xFFFF  }
0xfa: {  	_ =	strace $0x90000047  }
0xfb: {  	s0 =	stileid.u32;
	[bflag:$0x2] =	sbarrier.arrive $0xFFFF  }
0xfc: {  	p0 =	sne.s32 s0, $0x0;
	s0 =	rddreg [dreg:$0x3]  }
0xfd: {  	s0 =	sadd.s32 @!p0 $0x100000, s0  }
0xfe: {  	[sflag:s0] =	ssyncadd.tile.s32 @!p0 $0x1;
	_ =	shalt  }
.Lfunc_end2:
_tile_overlayer_lowered:
.L_overlay_start_2:
0xff: {  	(tag) =	ssettag $0x2  }
0x100: {  	s0 =	rddreg [dreg:$0x0];
	s2 =	stileid.u32  }
0x101: {  	s1 =	rddreg [dreg:$0x1];
	p0 =	sne.s32 s2, $0x0  }
0x102: {  	s3 =	rddreg [dreg:$0x2];
	[bflag:$0x3] =	sbarrier.arrive $0xFFFF;
	s2 =	simm.s32 @!p0 $0x1C02  }
0x103: {  	[timem:s3], [sflag:s2] =	dma.local @!p0 [hbm:s0], s1  }
0x104: {  	s0 =	simm.s32 @!p0 $0x2  }
0x105: {  	_ =	swait.ge @!p0 [sflag:s0], s1  }
0x106: {  	s1 =	ssub.s32 @!p0 $0x0, s1;
	[sflag:s0] =	ssyncset.done @!p0 $0x0  }
0x107: {  	[sflag:s0] =	ssyncadd.s32 @!p0 s1  }
0x108: {  	[bflag:$0x3] =	sbarrier.arrive $0xFFFF  }
0x109: {  	_ =	shalt  }

</sc_bundles>
